<compile_context>
chip_gen: v7x
topology: tpu7x:2x2x1
jax: 0.10.2.dev20260603
libtpu: 0.0.44.dev20260713+nightly
codegen_flags: <defaults>
</compile_context>

<pallas_src>
import functools

import jax
import jax.numpy as jnp
from jax import lax
from jax.experimental import pallas as pl
from jax.experimental.pallas import tpu as pltpu
from jax.experimental.pallas import tpu_sc as plsc

_VOCAB = 1000000
_DIM = 64
_HIDDEN = 2000
_LABELS = 1000
_B = 4096
_L = 200
_EPS = 1e-5

_NC = 2
_NS = 16
_NW = _NC * _NS
_BPW = _B // _NW

_PD = 128
_NBUF = 4
_SA = 128
_SB = _L - _SA
_WTOK = _BPW * _L


def _sc_gather_pool(content_w, emb_flat):
  mesh = plsc.VectorSubcoreMesh(
      core_axis_name="c", subcore_axis_name="s", num_cores=_NC,
      num_subcores=_NS)

  @functools.partial(
      pl.kernel,
      out_type=jax.ShapeDtypeStruct((_B, _DIM), jnp.float32),
      mesh=mesh,
      compiler_params=pltpu.CompilerParams(use_tc_tiling_on_sc=False),
      scratch_types=[
          pltpu.VMEM((_WTOK,), jnp.int32),
          pltpu.VMEM((_NBUF, _L, _DIM), jnp.float32),
          pltpu.VMEM((_BPW, _DIM), jnp.float32),
          tuple(pltpu.SemaphoreType.DMA for _ in range(_NBUF)),
      ],
  )
  def body(content_hbm, emb_hbm, out_hbm, idx_v, buf_v, stage_v, sems):
    wid = lax.axis_index("s") * _NC + lax.axis_index("c")
    base = wid * _BPW
    pltpu.sync_copy(content_hbm.at[wid], idx_v)

    def remap(c, carry):
      off = c * 16
      t = idx_v[pl.ds(off, 16)]
      std = (t & -_VB) + 2 * (t & (_VB // 2 - 1)) + (
          lax.shift_right_logical(t, (_VB // 2).bit_length() - 1) & 1)
      idx_v[pl.ds(off, 16)] = std
      return carry

    lax.fori_loop(0, _WTOK // 16, remap, 0, unroll=False)

    def fire(e, slot):
      pltpu.async_copy(
          emb_hbm.at[idx_v.at[pl.ds(e * _L, _SA)]],
          buf_v.at[slot, pl.ds(0, _SA)], sems[slot])
      pltpu.async_copy(
          emb_hbm.at[idx_v.at[pl.ds(e * _L + _SA, _SB)]],
          buf_v.at[slot, pl.ds(_SA, _SB)], sems[slot])

    def drain(e, slot):
      pltpu.make_async_copy(
          emb_hbm.at[idx_v.at[pl.ds(e * _L, _SA)]],
          buf_v.at[slot, pl.ds(0, _SA)], sems[slot]).wait()
      pltpu.make_async_copy(
          emb_hbm.at[idx_v.at[pl.ds(e * _L + _SA, _SB)]],
          buf_v.at[slot, pl.ds(_SA, _SB)], sems[slot]).wait()

    def accum(e, slot):
      def jchunk(jc, accs):
        out = list(accs)
        for jj in range(8):
          j = jc * 8 + jj
          for k in range(4):
            out[k] = out[k] + buf_v[slot, j, pl.ds(k * 16, 16)]
        return tuple(out)

      accs = lax.fori_loop(
          0, _L // 8, jchunk,
          tuple(jnp.zeros((16,), jnp.float32) for _ in range(4)),
          unroll=False)
      for k in range(4):
        stage_v[e, pl.ds(k * 16, 16)] = accs[k]

    for s in range(_NBUF):
      fire(s, s)

    def step(t, carry):
      for u in range(_NBUF):
        e = _NBUF * t + u
        drain(e, u)
        accum(e, u)

        @pl.when(e + _NBUF < _BPW)
        def _():
          fire(e + _NBUF, u)

      return carry

    n_full = _BPW // _NBUF
    lax.fori_loop(0, n_full, step, 0, unroll=False)
    for e in range(n_full * _NBUF, _BPW):
      drain(e, e % _NBUF)
      accum(e, e % _NBUF)

    pltpu.sync_copy(stage_v, out_hbm.at[pl.ds(base, _BPW)])

  return body(content_w, emb_flat)


_VB = 8192
_NVB = pl.cdiv(_VOCAB, _VB)
_PROWS = _NVB * (_VB // 2)


def _transpose_body(in_ref, out_ref):
  x = in_ref[...]
  out_ref[...] = jnp.concatenate(
      [x[:, :_VB // 2].T, x[:, _VB // 2:].T], axis=1)


def _tc_table_transpose(emb_t):
  return pl.pallas_call(
      _transpose_body,
      grid=(_NVB,),
      in_specs=[pl.BlockSpec((_DIM, _VB), lambda i: (0, i))],
      out_specs=pl.BlockSpec((_VB // 2, _PD), lambda i: (i, 0)),
      out_shape=jax.ShapeDtypeStruct((_PROWS, _PD), jnp.float32),
  )(emb_t)


_BB = 512


def _mlp_body(csum_ref, w1_ref, gamma_ref, beta_ref, w2_ref, b2_ref, out_ref,
              s_ref, m_ref):
  i = pl.program_id(0)

  @pl.when(i == 0)
  def _():
    c = csum_ref[...] * (1.0 / _L)
    m = jnp.mean(c, axis=0)
    g = lax.dot_general(c, c, (((0,), (0,)), ((), ())),
                        preferred_element_type=jnp.float32) / _B
    cov = g - m[:, None] * m[None, :]
    a = lax.dot_general(w1_ref[...], cov, (((1,), (0,)), ((), ())),
                        preferred_element_type=jnp.float32)
    var = jnp.sum(a * w1_ref[...], axis=1)
    s_ref[...] = (gamma_ref[...] * lax.rsqrt(var + _EPS)[None, :])
    m_ref[...] = m[None, :]

  blk = csum_ref[pl.ds(i * _BB, _BB), :] * (1.0 / _L) - m_ref[...]
  h = lax.dot_general(blk, w1_ref[...], (((1,), (1,)), ((), ())),
                      preferred_element_type=jnp.float32)
  r = jnp.maximum(h * s_ref[...] + beta_ref[...], 0.0)
  out_ref[...] = lax.dot_general(r, w2_ref[...], (((1,), (1,)), ((), ())),
                                 preferred_element_type=jnp.float32) + b2_ref[...]


def _tc_mlp(csum, w1, gamma, beta, w2, b2):
  grid = (_B // _BB,)
  full = lambda shape: pl.BlockSpec(shape, lambda i: (0, 0))
  return pl.pallas_call(
      _mlp_body,
      grid=grid,
      in_specs=[
          full((_B, _DIM)),
          full((_HIDDEN, _DIM)),
          full((1, _HIDDEN)),
          full((1, _HIDDEN)),
          full((_LABELS, _HIDDEN)),
          full((1, _LABELS)),
      ],
      out_specs=pl.BlockSpec((_BB, _LABELS), lambda i: (i, 0)),
      out_shape=jax.ShapeDtypeStruct((_B, _LABELS), jnp.float32),
      scratch_shapes=[
          pltpu.VMEM((1, _HIDDEN), jnp.float32),
          pltpu.VMEM((1, _DIM), jnp.float32),
      ],
  )(csum, w1, gamma.reshape(1, _HIDDEN), beta.reshape(1, _HIDDEN), w2,
    b2.reshape(1, _LABELS))


def kernel(content, emb, W1, b1, gamma, beta, W2, b2):
  del b1
  content_w = content.astype(jnp.int32).reshape(_NW, _WTOK)
  emb128 = _tc_table_transpose(emb.T)
  emb_flat = emb128.reshape(2 * _PROWS, _DIM)
  csum = _sc_gather_pool(content_w, emb_flat)
  return _tc_mlp(csum, W1, gamma, beta, W2, b2)

# --- scband reference (transcript-rebuilt; emitter-appended) ---
"""Pipeline reference for scband-fast-text-12884901888222 (READ-ONLY COPY).

The authoritative reference and input builder live on the scoring server;
editing this copy changes nothing except your own understanding.
"""

import jax, jax.numpy as jnp
import numpy as np

VOCAB = 1000000
DIM = 64
HIDDEN = 2000
LABELS = 1000
B = 4096
L = 200
EPS = 1e-5


def setup_inputs(seed: int = 0) -> dict:
    key = jax.random.key(seed)
    ks = jax.random.split(key, 8)
    content = jax.random.randint(ks[0], (B, L), 0, VOCAB, dtype=jnp.int64 if jax.config.jax_enable_x64 else jnp.int32)
    emb = jax.random.normal(ks[1], (VOCAB, DIM), dtype=jnp.float32) * 0.02
    W1 = jax.random.normal(ks[2], (HIDDEN, DIM), dtype=jnp.float32) * (1.0 / np.sqrt(DIM))
    b1 = jnp.zeros((HIDDEN,), dtype=jnp.float32)
    gamma = jnp.ones((HIDDEN,), dtype=jnp.float32)
    beta = jnp.zeros((HIDDEN,), dtype=jnp.float32)
    W2 = jax.random.normal(ks[3], (LABELS, HIDDEN), dtype=jnp.float32) * (1.0 / np.sqrt(HIDDEN))
    b2 = jnp.zeros((LABELS,), dtype=jnp.float32)
    return {"content": content, "emb": emb, "W1": W1, "b1": b1, "gamma": gamma, "beta": beta, "W2": W2, "b2": b2}


def reference(content, emb, W1, b1, gamma, beta, W2, b2):
    # encoder: embedding lookup [B, L, D]
    e = jnp.take(emb, content, axis=0)
    # mean over sequence dim -> [B, D]
    c = jnp.mean(e, axis=1)
    # Linear(embedding_dim, linear_hidden_size)
    h = c @ W1.T + b1
    # BatchNorm1d (training mode: batch statistics, biased variance)
    mu = jnp.mean(h, axis=0)
    var = jnp.var(h, axis=0)
    hn = (h - mu) / jnp.sqrt(var + EPS) * gamma + beta
    # ReLU
    r = jnp.maximum(hn, 0.0)
    # Linear(linear_hidden_size, label_size)
    out = r @ W2.T + b2
    return out

if __name__ == "__main__":
    import jax
    _d = setup_inputs()
    print(jax.jit(kernel)(*tuple(_d.values())))

</pallas_src>

<mosaic_0001>
#map = affine_map<(d0, d1) -> (0, 0)>
module attributes {stable_mosaic.version = 14 : i64} {
  func.func @body(%arg0: i32, %arg1: i32, %arg2: memref<32x25600xi32, #tpu.memory_space<hbm>>, %arg3: memref<1007616x64xf32, #tpu.memory_space<hbm>>, %arg4: memref<4096x64xf32, #tpu.memory_space<hbm>>, %arg5: memref<25600xi32, #tpu.memory_space<vmem>>, %arg6: memref<4x200x64xf32, #tpu.memory_space<vmem>>, %arg7: memref<128x64xf32, #tpu.memory_space<vmem>>, %arg8: memref<!tpu.dma_semaphore, #tpu.memory_space<semaphore_mem>>, %arg9: memref<!tpu.dma_semaphore, #tpu.memory_space<semaphore_mem>>, %arg10: memref<!tpu.dma_semaphore, #tpu.memory_space<semaphore_mem>>, %arg11: memref<!tpu.dma_semaphore, #tpu.memory_space<semaphore_mem>>) attributes {dimension_semantics = [#tpu.dimension_semantics<core_parallel>, #tpu.dimension_semantics<subcore_parallel>], iteration_bounds = array<i64: 2, 16>, scalar_prefetch = 0 : i64, scratch_operands = 7 : i64, tpu.core_type = #tpu.core_type<sc_vector_subcore>, window_params = [{transform_indices = #map}, {transform_indices = #map}, {transform_indices = #map}]} {
    %mul3A = arith.constant 2 : i32
    %mul3A_0 = arith.muli %arg1, %mul3A : i32
    %add3A = arith.addi %mul3A_0, %arg0 : i32
    %mul3A_1 = arith.constant 128 : i32
    %mul3A_2 = arith.muli %add3A, %mul3A_1 : i32
    "tpu.region"() ({
      %run_scoped3A = tpu.sem_alloc : memref<!tpu.dma_semaphore, #tpu.memory_space<semaphore_mem>>
      %dma_start3A_93 = arith.constant 0 : i32
      %dma_start3A_94 = tpu.memref_slice %arg2[%add3A, %dma_start3A_93] : memref<32x25600xi32, #tpu.memory_space<hbm>> -> memref<1x25600xi32, #tpu.memory_space<hbm>>
      %dma_start3A_95 = tpu.memref_squeeze %dma_start3A_94 : memref<1x25600xi32, #tpu.memory_space<hbm>> -> memref<25600xi32, #tpu.memory_space<hbm>>
      %dma_start3A_96 = arith.constant 0 : i32
      %dma_start3A_97 = tpu.memref_slice %arg2[%add3A, %dma_start3A_96] : memref<32x25600xi32, #tpu.memory_space<hbm>> -> memref<1x25600xi32, #tpu.memory_space<hbm>>
      %dma_start3A_98 = tpu.memref_squeeze %dma_start3A_97 : memref<1x25600xi32, #tpu.memory_space<hbm>> -> memref<25600xi32, #tpu.memory_space<hbm>>
      tpu.enqueue_dma source(%dma_start3A_98 : memref<25600xi32, #tpu.memory_space<hbm>>) target(%arg5 : memref<25600xi32, #tpu.memory_space<vmem>>) target_semaphore(%run_scoped3A : memref<!tpu.dma_semaphore, #tpu.memory_space<semaphore_mem>>)
      %dma_wait3A = arith.constant 0 : i32
      %dma_wait3A_99 = tpu.memref_slice %arg2[%add3A, %dma_wait3A] : memref<32x25600xi32, #tpu.memory_space<hbm>> -> memref<1x25600xi32, #tpu.memory_space<hbm>>
      %dma_wait3A_100 = tpu.memref_squeeze %dma_wait3A_99 : memref<1x25600xi32, #tpu.memory_space<hbm>> -> memref<25600xi32, #tpu.memory_space<hbm>>
      %dma_wait3A_101 = arith.constant 0 : i32
      %dma_wait3A_102 = tpu.memref_slice %arg2[%add3A, %dma_wait3A_101] : memref<32x25600xi32, #tpu.memory_space<hbm>> -> memref<1x25600xi32, #tpu.memory_space<hbm>>
      %dma_wait3A_103 = tpu.memref_squeeze %dma_wait3A_102 : memref<1x25600xi32, #tpu.memory_space<hbm>> -> memref<25600xi32, #tpu.memory_space<hbm>>
      tpu.wait_dma2 semaphore(%run_scoped3A : memref<!tpu.dma_semaphore, #tpu.memory_space<semaphore_mem>>) src(%dma_wait3A_103 : memref<25600xi32, #tpu.memory_space<hbm>>) dst(%arg5 : memref<25600xi32, #tpu.memory_space<vmem>>)
      tpu.yield
    }) : () -> ()
    %scan3A = arith.constant 0 : i32
    %scan3A_3 = arith.constant 0 : i32
    %scan3A_4 = arith.constant 1600 : i32
    %scan3A_5 = arith.addi %scan3A_3, %scan3A_4 : i32
    %scan3A_6 = arith.constant 1 : i32
    scf.for %scan3A_93 = %scan3A_3 to %scan3A_5 step %scan3A_6  : i32 {
      %mul3A_94 = arith.constant 16 : i32
      %mul3A_95 = arith.muli %scan3A_93, %mul3A_94 : i32
      %get3A = arith.index_cast %mul3A_95 : i32 to index
      %get3A_96 = tpu.vector_load %arg5[%get3A] {strides = array<i32>} : memref<25600xi32, #tpu.memory_space<vmem>>, vector<16xi32>,
      %get3A_97 = vector.shape_cast %get3A_96 : vector<16xi32> to vector<16xi32>
      %and3A = arith.constant -8192 : i32
      %and3A_98 = vector.broadcast %and3A : i32 to vector<16xi32>
      %and3A_99 = arith.andi %get3A_97, %and3A_98 : vector<16xi32>
      %and3A_100 = arith.constant 4095 : i32
      %and3A_101 = vector.broadcast %and3A_100 : i32 to vector<16xi32>
      %and3A_102 = arith.andi %get3A_97, %and3A_101 : vector<16xi32>
      %mul3A_103 = arith.constant 2 : i32
      %mul3A_104 = vector.broadcast %mul3A_103 : i32 to vector<16xi32>
      %mul3A_105 = arith.muli %mul3A_104, %and3A_102 : vector<16xi32>
      %add3A_106 = arith.addi %and3A_99, %mul3A_105 : vector<16xi32>
      %shift_right_logical3A = arith.constant 12 : i32
      %shift_right_logical3A_107 = vector.broadcast %shift_right_logical3A : i32 to vector<16xi32>
      %shift_right_logical3A_108 = arith.shrui %get3A_97, %shift_right_logical3A_107 : vector<16xi32>
      %and3A_109 = arith.constant 1 : i32
      %and3A_110 = vector.broadcast %and3A_109 : i32 to vector<16xi32>
      %and3A_111 = arith.andi %shift_right_logical3A_108, %and3A_110 : vector<16xi32>
      %add3A_112 = arith.addi %add3A_106, %and3A_111 : vector<16xi32>
      %swap3A = arith.index_cast %mul3A_95 : i32 to index
      %swap3A_113 = tpu.vector_load %arg5[%swap3A] {strides = array<i32>} : memref<25600xi32, #tpu.memory_space<vmem>>, vector<16xi32>,
      %swap3A_114 = vector.shape_cast %swap3A_113 : vector<16xi32> to vector<16xi32>
      %swap3A_115 = vector.shape_cast %add3A_112 : vector<16xi32> to vector<16xi32>
      tpu.vector_store %arg5[%swap3A], %swap3A_115 {strides = array<i32>} : memref<25600xi32, #tpu.memory_space<vmem>>, vector<16xi32>,
    }
    %scan3A_7 = arith.constant 1600 : i32
    %dma_start3A = arith.constant 0 : i32
    %dma_start3A_8 = arith.constant 0 : i32
    %dma_start3A_9 = arith.constant 0 : i32
    %dma_start3A_10 = tpu.memref_slice %arg6[%dma_start3A, %dma_start3A_8, %dma_start3A_9] : memref<4x200x64xf32, #tpu.memory_space<vmem>> -> memref<1x128x64xf32, #tpu.memory_space<vmem>>
    %dma_start3A_11 = tpu.memref_squeeze %dma_start3A_10 : memref<1x128x64xf32, #tpu.memory_space<vmem>> -> memref<128x64xf32, #tpu.memory_space<vmem>>
    %dma_start3A_12 = arith.constant 0 : i32
    %dma_start3A_13 = tpu.memref_slice %arg5[%dma_start3A_12] : memref<25600xi32, #tpu.memory_space<vmem>> -> memref<128xi32, #tpu.memory_space<vmem>>
    %dma_start3A_14 = arith.constant 0 : i32
    %dma_start3A_15 = arith.constant 0 : i32
    %dma_start3A_16 = tpu.memref_slice %arg3[%dma_start3A_14, %dma_start3A_15] : memref<1007616x64xf32, #tpu.memory_space<hbm>> -> memref<1007616x64xf32, #tpu.memory_space<hbm>>
    tpu.enqueue_indirect_dma source(%dma_start3A_16 : memref<1007616x64xf32, #tpu.memory_space<hbm>>) target(%dma_start3A_11 : memref<128x64xf32, #tpu.memory_space<vmem>>) offsets(%dma_start3A_13 : memref<128xi32, #tpu.memory_space<vmem>>) semaphore(%arg8 : memref<!tpu.dma_semaphore, #tpu.memory_space<semaphore_mem>>)
    %dma_start3A_17 = arith.constant 0 : i32
    %dma_start3A_18 = arith.constant 128 : i32
    %dma_start3A_19 = arith.constant 0 : i32
    %dma_start3A_20 = tpu.memref_slice %arg6[%dma_start3A_17, %dma_start3A_18, %dma_start3A_19] : memref<4x200x64xf32, #tpu.memory_space<vmem>> -> memref<1x72x64xf32, #tpu.memory_space<vmem>>
    %dma_start3A_21 = tpu.memref_squeeze %dma_start3A_20 : memref<1x72x64xf32, #tpu.memory_space<vmem>> -> memref<72x64xf32, #tpu.memory_space<vmem>>
    %dma_start3A_22 = arith.constant 128 : i32
    %dma_start3A_23 = tpu.memref_slice %arg5[%dma_start3A_22] : memref<25600xi32, #tpu.memory_space<vmem>> -> memref<72xi32, #tpu.memory_space<vmem>>
    %dma_start3A_24 = arith.constant 0 : i32
    %dma_start3A_25 = arith.constant 0 : i32
    %dma_start3A_26 = tpu.memref_slice %arg3[%dma_start3A_24, %dma_start3A_25] : memref<1007616x64xf32, #tpu.memory_space<hbm>> -> memref<1007616x64xf32, #tpu.memory_space<hbm>>
    tpu.enqueue_indirect_dma source(%dma_start3A_26 : memref<1007616x64xf32, #tpu.memory_space<hbm>>) target(%dma_start3A_21 : memref<72x64xf32, #tpu.memory_space<vmem>>) offsets(%dma_start3A_23 : memref<72xi32, #tpu.memory_space<vmem>>) semaphore(%arg8 : memref<!tpu.dma_semaphore, #tpu.memory_space<semaphore_mem>>)
    %dma_start3A_27 = arith.constant 1 : i32
    %dma_start3A_28 = arith.constant 0 : i32
    %dma_start3A_29 = arith.constant 0 : i32
    %dma_start3A_30 = tpu.memref_slice %arg6[%dma_start3A_27, %dma_start3A_28, %dma_start3A_29] : memref<4x200x64xf32, #tpu.memory_space<vmem>> -> memref<1x128x64xf32, #tpu.memory_space<vmem>>
    %dma_start3A_31 = tpu.memref_squeeze %dma_start3A_30 : memref<1x128x64xf32, #tpu.memory_space<vmem>> -> memref<128x64xf32, #tpu.memory_space<vmem>>
    %dma_start3A_32 = arith.constant 200 : i32
    %dma_start3A_33 = tpu.memref_slice %arg5[%dma_start3A_32] : memref<25600xi32, #tpu.memory_space<vmem>> -> memref<128xi32, #tpu.memory_space<vmem>>
    %dma_start3A_34 = arith.constant 0 : i32
    %dma_start3A_35 = arith.constant 0 : i32
    %dma_start3A_36 = tpu.memref_slice %arg3[%dma_start3A_34, %dma_start3A_35] : memref<1007616x64xf32, #tpu.memory_space<hbm>> -> memref<1007616x64xf32, #tpu.memory_space<hbm>>
    tpu.enqueue_indirect_dma source(%dma_start3A_36 : memref<1007616x64xf32, #tpu.memory_space<hbm>>) target(%dma_start3A_31 : memref<128x64xf32, #tpu.memory_space<vmem>>) offsets(%dma_start3A_33 : memref<128xi32, #tpu.memory_space<vmem>>) semaphore(%arg9 : memref<!tpu.dma_semaphore, #tpu.memory_space<semaphore_mem>>)
    %dma_start3A_37 = arith.constant 1 : i32
    %dma_start3A_38 = arith.constant 128 : i32
    %dma_start3A_39 = arith.constant 0 : i32
    %dma_start3A_40 = tpu.memref_slice %arg6[%dma_start3A_37, %dma_start3A_38, %dma_start3A_39] : memref<4x200x64xf32, #tpu.memory_space<vmem>> -> memref<1x72x64xf32, #tpu.memory_space<vmem>>
    %dma_start3A_41 = tpu.memref_squeeze %dma_start3A_40 : memref<1x72x64xf32, #tpu.memory_space<vmem>> -> memref<72x64xf32, #tpu.memory_space<vmem>>
    %dma_start3A_42 = arith.constant 328 : i32
    %dma_start3A_43 = tpu.memref_slice %arg5[%dma_start3A_42] : memref<25600xi32, #tpu.memory_space<vmem>> -> memref<72xi32, #tpu.memory_space<vmem>>
    %dma_start3A_44 = arith.constant 0 : i32
    %dma_start3A_45 = arith.constant 0 : i32
    %dma_start3A_46 = tpu.memref_slice %arg3[%dma_start3A_44, %dma_start3A_45] : memref<1007616x64xf32, #tpu.memory_space<hbm>> -> memref<1007616x64xf32, #tpu.memory_space<hbm>>
    tpu.enqueue_indirect_dma source(%dma_start3A_46 : memref<1007616x64xf32, #tpu.memory_space<hbm>>) target(%dma_start3A_41 : memref<72x64xf32, #tpu.memory_space<vmem>>) offsets(%dma_start3A_43 : memref<72xi32, #tpu.memory_space<vmem>>) semaphore(%arg9 : memref<!tpu.dma_semaphore, #tpu.memory_space<semaphore_mem>>)
    %dma_start3A_47 = arith.constant 2 : i32
    %dma_start3A_48 = arith.constant 0 : i32
    %dma_start3A_49 = arith.constant 0 : i32
    %dma_start3A_50 = tpu.memref_slice %arg6[%dma_start3A_47, %dma_start3A_48, %dma_start3A_49] : memref<4x200x64xf32, #tpu.memory_space<vmem>> -> memref<1x128x64xf32, #tpu.memory_space<vmem>>
    %dma_start3A_51 = tpu.memref_squeeze %dma_start3A_50 : memref<1x128x64xf32, #tpu.memory_space<vmem>> -> memref<128x64xf32, #tpu.memory_space<vmem>>
    %dma_start3A_52 = arith.constant 400 : i32
    %dma_start3A_53 = tpu.memref_slice %arg5[%dma_start3A_52] : memref<25600xi32, #tpu.memory_space<vmem>> -> memref<128xi32, #tpu.memory_space<vmem>>
    %dma_start3A_54 = arith.constant 0 : i32
    %dma_start3A_55 = arith.constant 0 : i32
    %dma_start3A_56 = tpu.memref_slice %arg3[%dma_start3A_54, %dma_start3A_55] : memref<1007616x64xf32, #tpu.memory_space<hbm>> -> memref<1007616x64xf32, #tpu.memory_space<hbm>>
    tpu.enqueue_indirect_dma source(%dma_start3A_56 : memref<1007616x64xf32, #tpu.memory_space<hbm>>) target(%dma_start3A_51 : memref<128x64xf32, #tpu.memory_space<vmem>>) offsets(%dma_start3A_53 : memref<128xi32, #tpu.memory_space<vmem>>) semaphore(%arg10 : memref<!tpu.dma_semaphore, #tpu.memory_space<semaphore_mem>>)
    %dma_start3A_57 = arith.constant 2 : i32
    %dma_start3A_58 = arith.constant 128 : i32
    %dma_start3A_59 = arith.constant 0 : i32
    %dma_start3A_60 = tpu.memref_slice %arg6[%dma_start3A_57, %dma_start3A_58, %dma_start3A_59] : memref<4x200x64xf32, #tpu.memory_space<vmem>> -> memref<1x72x64xf32, #tpu.memory_space<vmem>>
    %dma_start3A_61 = tpu.memref_squeeze %dma_start3A_60 : memref<1x72x64xf32, #tpu.memory_space<vmem>> -> memref<72x64xf32, #tpu.memory_space<vmem>>
    %dma_start3A_62 = arith.constant 528 : i32
    %dma_start3A_63 = tpu.memref_slice %arg5[%dma_start3A_62] : memref<25600xi32, #tpu.memory_space<vmem>> -> memref<72xi32, #tpu.memory_space<vmem>>
    %dma_start3A_64 = arith.constant 0 : i32
    %dma_start3A_65 = arith.constant 0 : i32
    %dma_start3A_66 = tpu.memref_slice %arg3[%dma_start3A_64, %dma_start3A_65] : memref<1007616x64xf32, #tpu.memory_space<hbm>> -> memref<1007616x64xf32, #tpu.memory_space<hbm>>
    tpu.enqueue_indirect_dma source(%dma_start3A_66 : memref<1007616x64xf32, #tpu.memory_space<hbm>>) target(%dma_start3A_61 : memref<72x64xf32, #tpu.memory_space<vmem>>) offsets(%dma_start3A_63 : memref<72xi32, #tpu.memory_space<vmem>>) semaphore(%arg10 : memref<!tpu.dma_semaphore, #tpu.memory_space<semaphore_mem>>)
    %dma_start3A_67 = arith.constant 3 : i32
    %dma_start3A_68 = arith.constant 0 : i32
    %dma_start3A_69 = arith.constant 0 : i32
    %dma_start3A_70 = tpu.memref_slice %arg6[%dma_start3A_67, %dma_start3A_68, %dma_start3A_69] : memref<4x200x64xf32, #tpu.memory_space<vmem>> -> memref<1x128x64xf32, #tpu.memory_space<vmem>>
    %dma_start3A_71 = tpu.memref_squeeze %dma_start3A_70 : memref<1x128x64xf32, #tpu.memory_space<vmem>> -> memref<128x64xf32, #tpu.memory_space<vmem>>
    %dma_start3A_72 = arith.constant 600 : i32
    %dma_start3A_73 = tpu.memref_slice %arg5[%dma_start3A_72] : memref<25600xi32, #tpu.memory_space<vmem>> -> memref<128xi32, #tpu.memory_space<vmem>>
    %dma_start3A_74 = arith.constant 0 : i32
    %dma_start3A_75 = arith.constant 0 : i32
    %dma_start3A_76 = tpu.memref_slice %arg3[%dma_start3A_74, %dma_start3A_75] : memref<1007616x64xf32, #tpu.memory_space<hbm>> -> memref<1007616x64xf32, #tpu.memory_space<hbm>>
    tpu.enqueue_indirect_dma source(%dma_start3A_76 : memref<1007616x64xf32, #tpu.memory_space<hbm>>) target(%dma_start3A_71 : memref<128x64xf32, #tpu.memory_space<vmem>>) offsets(%dma_start3A_73 : memref<128xi32, #tpu.memory_space<vmem>>) semaphore(%arg11 : memref<!tpu.dma_semaphore, #tpu.memory_space<semaphore_mem>>)
    %dma_start3A_77 = arith.constant 3 : i32
    %dma_start3A_78 = arith.constant 128 : i32
    %dma_start3A_79 = arith.constant 0 : i32
    %dma_start3A_80 = tpu.memref_slice %arg6[%dma_start3A_77, %dma_start3A_78, %dma_start3A_79] : memref<4x200x64xf32, #tpu.memory_space<vmem>> -> memref<1x72x64xf32, #tpu.memory_space<vmem>>
    %dma_start3A_81 = tpu.memref_squeeze %dma_start3A_80 : memref<1x72x64xf32, #tpu.memory_space<vmem>> -> memref<72x64xf32, #tpu.memory_space<vmem>>
    %dma_start3A_82 = arith.constant 728 : i32
    %dma_start3A_83 = tpu.memref_slice %arg5[%dma_start3A_82] : memref<25600xi32, #tpu.memory_space<vmem>> -> memref<72xi32, #tpu.memory_space<vmem>>
    %dma_start3A_84 = arith.constant 0 : i32
    %dma_start3A_85 = arith.constant 0 : i32
    %dma_start3A_86 = tpu.memref_slice %arg3[%dma_start3A_84, %dma_start3A_85] : memref<1007616x64xf32, #tpu.memory_space<hbm>> -> memref<1007616x64xf32, #tpu.memory_space<hbm>>
    tpu.enqueue_indirect_dma source(%dma_start3A_86 : memref<1007616x64xf32, #tpu.memory_space<hbm>>) target(%dma_start3A_81 : memref<72x64xf32, #tpu.memory_space<vmem>>) offsets(%dma_start3A_83 : memref<72xi32, #tpu.memory_space<vmem>>) semaphore(%arg11 : memref<!tpu.dma_semaphore, #tpu.memory_space<semaphore_mem>>)
    %scan3A_87 = arith.constant 0 : i32
    %scan3A_88 = arith.constant 0 : i32
    %scan3A_89 = arith.constant 32 : i32
    %scan3A_90 = arith.addi %scan3A_88, %scan3A_89 : i32
    %scan3A_91 = arith.constant 1 : i32
    scf.for %scan3A_93 = %scan3A_88 to %scan3A_90 step %scan3A_91  : i32 {
      %mul3A_94 = arith.constant 4 : i32
      %mul3A_95 = arith.muli %mul3A_94, %scan3A_93 : i32
      %add3A_96 = arith.constant 0 : i32
      %add3A_97 = arith.addi %mul3A_95, %add3A_96 : i32
      %mul3A_98 = arith.constant 200 : i32
      %mul3A_99 = arith.muli %add3A_97, %mul3A_98 : i32
      %dma_wait3A = arith.constant 0 : i32
      %dma_wait3A_100 = arith.constant 0 : i32
      %dma_wait3A_101 = arith.constant 0 : i32
      %dma_wait3A_102 = tpu.memref_slice %arg6[%dma_wait3A, %dma_wait3A_100, %dma_wait3A_101] : memref<4x200x64xf32, #tpu.memory_space<vmem>> -> memref<1x128x64xf32, #tpu.memory_space<vmem>>
      %dma_wait3A_103 = tpu.memref_squeeze %dma_wait3A_102 : memref<1x128x64xf32, #tpu.memory_space<vmem>> -> memref<128x64xf32, #tpu.memory_space<vmem>>
      %dma_wait3A_104 = tpu.memref_slice %arg5[%mul3A_99] : memref<25600xi32, #tpu.memory_space<vmem>> -> memref<128xi32, #tpu.memory_space<vmem>>
      %dma_wait3A_105 = arith.constant 0 : i32
      %dma_wait3A_106 = arith.constant 0 : i32
      %dma_wait3A_107 = tpu.memref_slice %arg3[%dma_wait3A_105, %dma_wait3A_106] : memref<1007616x64xf32, #tpu.memory_space<hbm>> -> memref<1007616x64xf32, #tpu.memory_space<hbm>>
      tpu.wait_indirect_dma semaphore(%arg8 : memref<!tpu.dma_semaphore, #tpu.memory_space<semaphore_mem>>) src(%dma_wait3A_107 : memref<1007616x64xf32, #tpu.memory_space<hbm>>) dst(%dma_wait3A_103 : memref<128x64xf32, #tpu.memory_space<vmem>>)
      %mul3A_108 = arith.constant 200 : i32
      %mul3A_109 = arith.muli %add3A_97, %mul3A_108 : i32
      %add3A_110 = arith.constant 128 : i32
      %add3A_111 = arith.addi %mul3A_109, %add3A_110 : i32
      %dma_wait3A_112 = arith.constant 0 : i32
      %dma_wait3A_113 = arith.constant 128 : i32
      %dma_wait3A_114 = arith.constant 0 : i32
      %dma_wait3A_115 = tpu.memref_slice %arg6[%dma_wait3A_112, %dma_wait3A_113, %dma_wait3A_114] : memref<4x200x64xf32, #tpu.memory_space<vmem>> -> memref<1x72x64xf32, #tpu.memory_space<vmem>>
      %dma_wait3A_116 = tpu.memref_squeeze %dma_wait3A_115 : memref<1x72x64xf32, #tpu.memory_space<vmem>> -> memref<72x64xf32, #tpu.memory_space<vmem>>
      %dma_wait3A_117 = tpu.memref_slice %arg5[%add3A_111] : memref<25600xi32, #tpu.memory_space<vmem>> -> memref<72xi32, #tpu.memory_space<vmem>>
      %dma_wait3A_118 = arith.constant 0 : i32
      %dma_wait3A_119 = arith.constant 0 : i32
      %dma_wait3A_120 = tpu.memref_slice %arg3[%dma_wait3A_118, %dma_wait3A_119] : memref<1007616x64xf32, #tpu.memory_space<hbm>> -> memref<1007616x64xf32, #tpu.memory_space<hbm>>
      tpu.wait_indirect_dma semaphore(%arg8 : memref<!tpu.dma_semaphore, #tpu.memory_space<semaphore_mem>>) src(%dma_wait3A_120 : memref<1007616x64xf32, #tpu.memory_space<hbm>>) dst(%dma_wait3A_116 : memref<72x64xf32, #tpu.memory_space<vmem>>)
      %broadcast_in_dim3A = arith.constant 0.000000e+00 : f32
      %broadcast_in_dim3A_121 = vector.broadcast %broadcast_in_dim3A : f32 to vector<16xf32>
      %broadcast_in_dim3A_122 = arith.constant 0.000000e+00 : f32
      %broadcast_in_dim3A_123 = vector.broadcast %broadcast_in_dim3A_122 : f32 to vector<16xf32>
      %broadcast_in_dim3A_124 = arith.constant 0.000000e+00 : f32
      %broadcast_in_dim3A_125 = vector.broadcast %broadcast_in_dim3A_124 : f32 to vector<16xf32>
      %broadcast_in_dim3A_126 = arith.constant 0.000000e+00 : f32
      %broadcast_in_dim3A_127 = vector.broadcast %broadcast_in_dim3A_126 : f32 to vector<16xf32>
      %scan3A_128 = arith.constant 0 : i32
      %scan3A_129 = arith.constant 25 : i32
      %scan3A_130 = arith.addi %scan3A_128, %scan3A_129 : i32
      %scan3A_131 = arith.constant 1 : i32
      %scan3A_132:4 = scf.for %scan3A_364 = %scan3A_128 to %scan3A_130 step %scan3A_131 iter_args(%scan3A_365 = %broadcast_in_dim3A_121, %scan3A_366 = %broadcast_in_dim3A_123, %scan3A_367 = %broadcast_in_dim3A_125, %scan3A_368 = %broadcast_in_dim3A_127) -> (vector<16xf32>, vector<16xf32>, vector<16xf32>, vector<16xf32>)  : i32 {
        %mul3A_369 = arith.constant 8 : i32
        %mul3A_370 = arith.muli %scan3A_364, %mul3A_369 : i32
        %add3A_371 = arith.constant 0 : i32
        %add3A_372 = arith.addi %mul3A_370, %add3A_371 : i32
        %get3A = arith.constant 0 : i32
        %get3A_373 = arith.index_cast %get3A : i32 to index
        %get3A_374 = arith.index_cast %add3A_372 : i32 to index
        %get3A_375 = arith.constant 0 : index
        %get3A_376 = tpu.vector_load %arg6[%get3A_373, %get3A_374, %get3A_375] {strides = array<i32>} : memref<4x200x64xf32, #tpu.memory_space<vmem>>, vector<1x1x16xf32>,
        %get3A_377 = vector.shape_cast %get3A_376 : vector<1x1x16xf32> to vector<16xf32>
        %add3A_378 = arith.addf %scan3A_365, %get3A_377 : vector<16xf32>
        %get3A_379 = arith.constant 0 : i32
        %get3A_380 = arith.index_cast %get3A_379 : i32 to index
        %get3A_381 = arith.index_cast %add3A_372 : i32 to index
        %get3A_382 = arith.constant 16 : index
        %get3A_383 = tpu.vector_load %arg6[%get3A_380, %get3A_381, %get3A_382] {strides = array<i32>} : memref<4x200x64xf32, #tpu.memory_space<vmem>>, vector<1x1x16xf32>,
        %get3A_384 = vector.shape_cast %get3A_383 : vector<1x1x16xf32> to vector<16xf32>
        %add3A_385 = arith.addf %scan3A_366, %get3A_384 : vector<16xf32>
        %get3A_386 = arith.constant 0 : i32
        %get3A_387 = arith.index_cast %get3A_386 : i32 to index
        %get3A_388 = arith.index_cast %add3A_372 : i32 to index
        %get3A_389 = arith.constant 32 : index
        %get3A_390 = tpu.vector_load %arg6[%get3A_387, %get3A_388, %get3A_389] {strides = array<i32>} : memref<4x200x64xf32, #tpu.memory_space<vmem>>, vector<1x1x16xf32>,
        %get3A_391 = vector.shape_cast %get3A_390 : vector<1x1x16xf32> to vector<16xf32>
        %add3A_392 = arith.addf %scan3A_367, %get3A_391 : vector<16xf32>
        %get3A_393 = arith.constant 0 : i32
        %get3A_394 = arith.index_cast %get3A_393 : i32 to index
        %get3A_395 = arith.index_cast %add3A_372 : i32 to index
        %get3A_396 = arith.constant 48 : index
        %get3A_397 = tpu.vector_load %arg6[%get3A_394, %get3A_395, %get3A_396] {strides = array<i32>} : memref<4x200x64xf32, #tpu.memory_space<vmem>>, vector<1x1x16xf32>,
        %get3A_398 = vector.shape_cast %get3A_397 : vector<1x1x16xf32> to vector<16xf32>
        %add3A_399 = arith.addf %scan3A_368, %get3A_398 : vector<16xf32>
        %mul3A_400 = arith.constant 8 : i32
        %mul3A_401 = arith.muli %scan3A_364, %mul3A_400 : i32
        %add3A_402 = arith.constant 1 : i32
        %add3A_403 = arith.addi %mul3A_401, %add3A_402 : i32
        %get3A_404 = arith.constant 0 : i32
        %get3A_405 = arith.index_cast %get3A_404 : i32 to index
        %get3A_406 = arith.index_cast %add3A_403 : i32 to index
        %get3A_407 = arith.constant 0 : index
        %get3A_408 = tpu.vector_load %arg6[%get3A_405, %get3A_406, %get3A_407] {strides = array<i32>} : memref<4x200x64xf32, #tpu.memory_space<vmem>>, vector<1x1x16xf32>,
        %get3A_409 = vector.shape_cast %get3A_408 : vector<1x1x16xf32> to vector<16xf32>
        %add3A_410 = arith.addf %add3A_378, %get3A_409 : vector<16xf32>
        %get3A_411 = arith.constant 0 : i32
        %get3A_412 = arith.index_cast %get3A_411 : i32 to index
        %get3A_413 = arith.index_cast %add3A_403 : i32 to index
        %get3A_414 = arith.constant 16 : index
        %get3A_415 = tpu.vector_load %arg6[%get3A_412, %get3A_413, %get3A_414] {strides = array<i32>} : memref<4x200x64xf32, #tpu.memory_space<vmem>>, vector<1x1x16xf32>,
        %get3A_416 = vector.shape_cast %get3A_415 : vector<1x1x16xf32> to vector<16xf32>
        %add3A_417 = arith.addf %add3A_385, %get3A_416 : vector<16xf32>
        %get3A_418 = arith.constant 0 : i32
        %get3A_419 = arith.index_cast %get3A_418 : i32 to index
        %get3A_420 = arith.index_cast %add3A_403 : i32 to index
        %get3A_421 = arith.constant 32 : index
        %get3A_422 = tpu.vector_load %arg6[%get3A_419, %get3A_420, %get3A_421] {strides = array<i32>} : memref<4x200x64xf32, #tpu.memory_space<vmem>>, vector<1x1x16xf32>,
        %get3A_423 = vector.shape_cast %get3A_422 : vector<1x1x16xf32> to vector<16xf32>
        %add3A_424 = arith.addf %add3A_392, %get3A_423 : vector<16xf32>
        %get3A_425 = arith.constant 0 : i32
        %get3A_426 = arith.index_cast %get3A_425 : i32 to index
        %get3A_427 = arith.index_cast %add3A_403 : i32 to index
        %get3A_428 = arith.constant 48 : index
        %get3A_429 = tpu.vector_load %arg6[%get3A_426, %get3A_427, %get3A_428] {strides = array<i32>} : memref<4x200x64xf32, #tpu.memory_space<vmem>>, vector<1x1x16xf32>,
        %get3A_430 = vector.shape_cast %get3A_429 : vector<1x1x16xf32> to vector<16xf32>
        %add3A_431 = arith.addf %add3A_399, %get3A_430 : vector<16xf32>
        %mul3A_432 = arith.constant 8 : i32
        %mul3A_433 = arith.muli %scan3A_364, %mul3A_432 : i32
        %add3A_434 = arith.constant 2 : i32
        %add3A_435 = arith.addi %mul3A_433, %add3A_434 : i32
        %get3A_436 = arith.constant 0 : i32
        %get3A_437 = arith.index_cast %get3A_436 : i32 to index
        %get3A_438 = arith.index_cast %add3A_435 : i32 to index
        %get3A_439 = arith.constant 0 : index
        %get3A_440 = tpu.vector_load %arg6[%get3A_437, %get3A_438, %get3A_439] {strides = array<i32>} : memref<4x200x64xf32, #tpu.memory_space<vmem>>, vector<1x1x16xf32>,
        %get3A_441 = vector.shape_cast %get3A_440 : vector<1x1x16xf32> to vector<16xf32>
        %add3A_442 = arith.addf %add3A_410, %get3A_441 : vector<16xf32>
        %get3A_443 = arith.constant 0 : i32
        %get3A_444 = arith.index_cast %get3A_443 : i32 to index
        %get3A_445 = arith.index_cast %add3A_435 : i32 to index
        %get3A_446 = arith.constant 16 : index
        %get3A_447 = tpu.vector_load %arg6[%get3A_444, %get3A_445, %get3A_446] {strides = array<i32>} : memref<4x200x64xf32, #tpu.memory_space<vmem>>, vector<1x1x16xf32>,
        %get3A_448 = vector.shape_cast %get3A_447 : vector<1x1x16xf32> to vector<16xf32>
        %add3A_449 = arith.addf %add3A_417, %get3A_448 : vector<16xf32>
        %get3A_450 = arith.constant 0 : i32
        %get3A_451 = arith.index_cast %get3A_450 : i32 to index
        %get3A_452 = arith.index_cast %add3A_435 : i32 to index
        %get3A_453 = arith.constant 32 : index
        %get3A_454 = tpu.vector_load %arg6[%get3A_451, %get3A_452, %get3A_453] {strides = array<i32>} : memref<4x200x64xf32, #tpu.memory_space<vmem>>, vector<1x1x16xf32>,
        %get3A_455 = vector.shape_cast %get3A_454 : vector<1x1x16xf32> to vector<16xf32>
        %add3A_456 = arith.addf %add3A_424, %get3A_455 : vector<16xf32>
        %get3A_457 = arith.constant 0 : i32
        %get3A_458 = arith.index_cast %get3A_457 : i32 to index
        %get3A_459 = arith.index_cast %add3A_435 : i32 to index
        %get3A_460 = arith.constant 48 : index
        %get3A_461 = tpu.vector_load %arg6[%get3A_458, %get3A_459, %get3A_460] {strides = array<i32>} : memref<4x200x64xf32, #tpu.memory_space<vmem>>, vector<1x1x16xf32>,
        %get3A_462 = vector.shape_cast %get3A_461 : vector<1x1x16xf32> to vector<16xf32>
        %add3A_463 = arith.addf %add3A_431, %get3A_462 : vector<16xf32>
        %mul3A_464 = arith.constant 8 : i32
        %mul3A_465 = arith.muli %scan3A_364, %mul3A_464 : i32
        %add3A_466 = arith.constant 3 : i32
        %add3A_467 = arith.addi %mul3A_465, %add3A_466 : i32
        %get3A_468 = arith.constant 0 : i32
        %get3A_469 = arith.index_cast %get3A_468 : i32 to index
        %get3A_470 = arith.index_cast %add3A_467 : i32 to index
        %get3A_471 = arith.constant 0 : index
        %get3A_472 = tpu.vector_load %arg6[%get3A_469, %get3A_470, %get3A_471] {strides = array<i32>} : memref<4x200x64xf32, #tpu.memory_space<vmem>>, vector<1x1x16xf32>,
        %get3A_473 = vector.shape_cast %get3A_472 : vector<1x1x16xf32> to vector<16xf32>
        %add3A_474 = arith.addf %add3A_442, %get3A_473 : vector<16xf32>
        %get3A_475 = arith.constant 0 : i32
        %get3A_476 = arith.index_cast %get3A_475 : i32 to index
        %get3A_477 = arith.index_cast %add3A_467 : i32 to index
        %get3A_478 = arith.constant 16 : index
        %get3A_479 = tpu.vector_load %arg6[%get3A_476, %get3A_477, %get3A_478] {strides = array<i32>} : memref<4x200x64xf32, #tpu.memory_space<vmem>>, vector<1x1x16xf32>,
        %get3A_480 = vector.shape_cast %get3A_479 : vector<1x1x16xf32> to vector<16xf32>
        %add3A_481 = arith.addf %add3A_449, %get3A_480 : vector<16xf32>
        %get3A_482 = arith.constant 0 : i32
        %get3A_483 = arith.index_cast %get3A_482 : i32 to index
        %get3A_484 = arith.index_cast %add3A_467 : i32 to index
        %get3A_485 = arith.constant 32 : index
        %get3A_486 = tpu.vector_load %arg6[%get3A_483, %get3A_484, %get3A_485] {strides = array<i32>} : memref<4x200x64xf32, #tpu.memory_space<vmem>>, vector<1x1x16xf32>,
        %get3A_487 = vector.shape_cast %get3A_486 : vector<1x1x16xf32> to vector<16xf32>
        %add3A_488 = arith.addf %add3A_456, %get3A_487 : vector<16xf32>
        %get3A_489 = arith.constant 0 : i32
        %get3A_490 = arith.index_cast %get3A_489 : i32 to index
        %get3A_491 = arith.index_cast %add3A_467 : i32 to index
        %get3A_492 = arith.constant 48 : index
        %get3A_493 = tpu.vector_load %arg6[%get3A_490, %get3A_491, %get3A_492] {strides = array<i32>} : memref<4x200x64xf32, #tpu.memory_space<vmem>>, vector<1x1x16xf32>,
        %get3A_494 = vector.shape_cast %get3A_493 : vector<1x1x16xf32> to vector<16xf32>
        %add3A_495 = arith.addf %add3A_463, %get3A_494 : vector<16xf32>
        %mul3A_496 = arith.constant 8 : i32
        %mul3A_497 = arith.muli %scan3A_364, %mul3A_496 : i32
        %add3A_498 = arith.constant 4 : i32
        %add3A_499 = arith.addi %mul3A_497, %add3A_498 : i32
        %get3A_500 = arith.constant 0 : i32
        %get3A_501 = arith.index_cast %get3A_500 : i32 to index
        %get3A_502 = arith.index_cast %add3A_499 : i32 to index
        %get3A_503 = arith.constant 0 : index
        %get3A_504 = tpu.vector_load %arg6[%get3A_501, %get3A_502, %get3A_503] {strides = array<i32>} : memref<4x200x64xf32, #tpu.memory_space<vmem>>, vector<1x1x16xf32>,
        %get3A_505 = vector.shape_cast %get3A_504 : vector<1x1x16xf32> to vector<16xf32>
        %add3A_506 = arith.addf %add3A_474, %get3A_505 : vector<16xf32>
        %get3A_507 = arith.constant 0 : i32
        %get3A_508 = arith.index_cast %get3A_507 : i32 to index
        %get3A_509 = arith.index_cast %add3A_499 : i32 to index
        %get3A_510 = arith.constant 16 : index
        %get3A_511 = tpu.vector_load %arg6[%get3A_508, %get3A_509, %get3A_510] {strides = array<i32>} : memref<4x200x64xf32, #tpu.memory_space<vmem>>, vector<1x1x16xf32>,
        %get3A_512 = vector.shape_cast %get3A_511 : vector<1x1x16xf32> to vector<16xf32>
        %add3A_513 = arith.addf %add3A_481, %get3A_512 : vector<16xf32>
        %get3A_514 = arith.constant 0 : i32
        %get3A_515 = arith.index_cast %get3A_514 : i32 to index
        %get3A_516 = arith.index_cast %add3A_499 : i32 to index
        %get3A_517 = arith.constant 32 : index
        %get3A_518 = tpu.vector_load %arg6[%get3A_515, %get3A_516, %get3A_517] {strides = array<i32>} : memref<4x200x64xf32, #tpu.memory_space<vmem>>, vector<1x1x16xf32>,
        %get3A_519 = vector.shape_cast %get3A_518 : vector<1x1x16xf32> to vector<16xf32>
        %add3A_520 = arith.addf %add3A_488, %get3A_519 : vector<16xf32>
        %get3A_521 = arith.constant 0 : i32
        %get3A_522 = arith.index_cast %get3A_521 : i32 to index
        %get3A_523 = arith.index_cast %add3A_499 : i32 to index
        %get3A_524 = arith.constant 48 : index
        %get3A_525 = tpu.vector_load %arg6[%get3A_522, %get3A_523, %get3A_524] {strides = array<i32>} : memref<4x200x64xf32, #tpu.memory_space<vmem>>, vector<1x1x16xf32>,
        %get3A_526 = vector.shape_cast %get3A_525 : vector<1x1x16xf32> to vector<16xf32>
        %add3A_527 = arith.addf %add3A_495, %get3A_526 : vector<16xf32>
        %mul3A_528 = arith.constant 8 : i32
        %mul3A_529 = arith.muli %scan3A_364, %mul3A_528 : i32
        %add3A_530 = arith.constant 5 : i32
        %add3A_531 = arith.addi %mul3A_529, %add3A_530 : i32
        %get3A_532 = arith.constant 0 : i32
        %get3A_533 = arith.index_cast %get3A_532 : i32 to index
        %get3A_534 = arith.index_cast %add3A_531 : i32 to index
        %get3A_535 = arith.constant 0 : index
        %get3A_536 = tpu.vector_load %arg6[%get3A_533, %get3A_534, %get3A_535] {strides = array<i32>} : memref<4x200x64xf32, #tpu.memory_space<vmem>>, vector<1x1x16xf32>,
        %get3A_537 = vector.shape_cast %get3A_536 : vector<1x1x16xf32> to vector<16xf32>
        %add3A_538 = arith.addf %add3A_506, %get3A_537 : vector<16xf32>
        %get3A_539 = arith.constant 0 : i32
        %get3A_540 = arith.index_cast %get3A_539 : i32 to index
        %get3A_541 = arith.index_cast %add3A_531 : i32 to index
        %get3A_542 = arith.constant 16 : index
        %get3A_543 = tpu.vector_load %arg6[%get3A_540, %get3A_541, %get3A_542] {strides = array<i32>} : memref<4x200x64xf32, #tpu.memory_space<vmem>>, vector<1x1x16xf32>,
        %get3A_544 = vector.shape_cast %get3A_543 : vector<1x1x16xf32> to vector<16xf32>
        %add3A_545 = arith.addf %add3A_513, %get3A_544 : vector<16xf32>
        %get3A_546 = arith.constant 0 : i32
        %get3A_547 = arith.index_cast %get3A_546 : i32 to index
        %get3A_548 = arith.index_cast %add3A_531 : i32 to index
        %get3A_549 = arith.constant 32 : index
        %get3A_550 = tpu.vector_load %arg6[%get3A_547, %get3A_548, %get3A_549] {strides = array<i32>} : memref<4x200x64xf32, #tpu.memory_space<vmem>>, vector<1x1x16xf32>,
        %get3A_551 = vector.shape_cast %get3A_550 : vector<1x1x16xf32> to vector<16xf32>
        %add3A_552 = arith.addf %add3A_520, %get3A_551 : vector<16xf32>
        %get3A_553 = arith.constant 0 : i32
        %get3A_554 = arith.index_cast %get3A_553 : i32 to index
        %get3A_555 = arith.index_cast %add3A_531 : i32 to index
        %get3A_556 = arith.constant 48 : index
        %get3A_557 = tpu.vector_load %arg6[%get3A_554, %get3A_555, %get3A_556] {strides = array<i32>} : memref<4x200x64xf32, #tpu.memory_space<vmem>>, vector<1x1x16xf32>,
        %get3A_558 = vector.shape_cast %get3A_557 : vector<1x1x16xf32> to vector<16xf32>
        %add3A_559 = arith.addf %add3A_527, %get3A_558 : vector<16xf32>
        %mul3A_560 = arith.constant 8 : i32
        %mul3A_561 = arith.muli %scan3A_364, %mul3A_560 : i32
        %add3A_562 = arith.constant 6 : i32
        %add3A_563 = arith.addi %mul3A_561, %add3A_562 : i32
        %get3A_564 = arith.constant 0 : i32
        %get3A_565 = arith.index_cast %get3A_564 : i32 to index
        %get3A_566 = arith.index_cast %add3A_563 : i32 to index
        %get3A_567 = arith.constant 0 : index
        %get3A_568 = tpu.vector_load %arg6[%get3A_565, %get3A_566, %get3A_567] {strides = array<i32>} : memref<4x200x64xf32, #tpu.memory_space<vmem>>, vector<1x1x16xf32>,
        %get3A_569 = vector.shape_cast %get3A_568 : vector<1x1x16xf32> to vector<16xf32>
        %add3A_570 = arith.addf %add3A_538, %get3A_569 : vector<16xf32>
        %get3A_571 = arith.constant 0 : i32
        %get3A_572 = arith.index_cast %get3A_571 : i32 to index
        %get3A_573 = arith.index_cast %add3A_563 : i32 to index
        %get3A_574 = arith.constant 16 : index
        %get3A_575 = tpu.vector_load %arg6[%get3A_572, %get3A_573, %get3A_574] {strides = array<i32>} : memref<4x200x64xf32, #tpu.memory_space<vmem>>, vector<1x1x16xf32>,
        %get3A_576 = vector.shape_cast %get3A_575 : vector<1x1x16xf32> to vector<16xf32>
        %add3A_577 = arith.addf %add3A_545, %get3A_576 : vector<16xf32>
        %get3A_578 = arith.constant 0 : i32
        %get3A_579 = arith.index_cast %get3A_578 : i32 to index
        %get3A_580 = arith.index_cast %add3A_563 : i32 to index
        %get3A_581 = arith.constant 32 : index
        %get3A_582 = tpu.vector_load %arg6[%get3A_579, %get3A_580, %get3A_581] {strides = array<i32>} : memref<4x200x64xf32, #tpu.memory_space<vmem>>, vector<1x1x16xf32>,
        %get3A_583 = vector.shape_cast %get3A_582 : vector<1x1x16xf32> to vector<16xf32>
        %add3A_584 = arith.addf %add3A_552, %get3A_583 : vector<16xf32>
        %get3A_585 = arith.constant 0 : i32
        %get3A_586 = arith.index_cast %get3A_585 : i32 to index
        %get3A_587 = arith.index_cast %add3A_563 : i32 to index
        %get3A_588 = arith.constant 48 : index
        %get3A_589 = tpu.vector_load %arg6[%get3A_586, %get3A_587, %get3A_588] {strides = array<i32>} : memref<4x200x64xf32, #tpu.memory_space<vmem>>, vector<1x1x16xf32>,
        %get3A_590 = vector.shape_cast %get3A_589 : vector<1x1x16xf32> to vector<16xf32>
        %add3A_591 = arith.addf %add3A_559, %get3A_590 : vector<16xf32>
        %mul3A_592 = arith.constant 8 : i32
        %mul3A_593 = arith.muli %scan3A_364, %mul3A_592 : i32
        %add3A_594 = arith.constant 7 : i32
        %add3A_595 = arith.addi %mul3A_593, %add3A_594 : i32
        %get3A_596 = arith.constant 0 : i32
        %get3A_597 = arith.index_cast %get3A_596 : i32 to index
        %get3A_598 = arith.index_cast %add3A_595 : i32 to index
        %get3A_599 = arith.constant 0 : index
        %get3A_600 = tpu.vector_load %arg6[%get3A_597, %get3A_598, %get3A_599] {strides = array<i32>} : memref<4x200x64xf32, #tpu.memory_space<vmem>>, vector<1x1x16xf32>,
        %get3A_601 = vector.shape_cast %get3A_600 : vector<1x1x16xf32> to vector<16xf32>
        %add3A_602 = arith.addf %add3A_570, %get3A_601 : vector<16xf32>
        %get3A_603 = arith.constant 0 : i32
        %get3A_604 = arith.index_cast %get3A_603 : i32 to index
        %get3A_605 = arith.index_cast %add3A_595 : i32 to index
        %get3A_606 = arith.constant 16 : index
        %get3A_607 = tpu.vector_load %arg6[%get3A_604, %get3A_605, %get3A_606] {strides = array<i32>} : memref<4x200x64xf32, #tpu.memory_space<vmem>>, vector<1x1x16xf32>,
        %get3A_608 = vector.shape_cast %get3A_607 : vector<1x1x16xf32> to vector<16xf32>
        %add3A_609 = arith.addf %add3A_577, %get3A_608 : vector<16xf32>
        %get3A_610 = arith.constant 0 : i32
        %get3A_611 = arith.index_cast %get3A_610 : i32 to index
        %get3A_612 = arith.index_cast %add3A_595 : i32 to index
        %get3A_613 = arith.constant 32 : index
        %get3A_614 = tpu.vector_load %arg6[%get3A_611, %get3A_612, %get3A_613] {strides = array<i32>} : memref<4x200x64xf32, #tpu.memory_space<vmem>>, vector<1x1x16xf32>,
        %get3A_615 = vector.shape_cast %get3A_614 : vector<1x1x16xf32> to vector<16xf32>
        %add3A_616 = arith.addf %add3A_584, %get3A_615 : vector<16xf32>
        %get3A_617 = arith.constant 0 : i32
        %get3A_618 = arith.index_cast %get3A_617 : i32 to index
        %get3A_619 = arith.index_cast %add3A_595 : i32 to index
        %get3A_620 = arith.constant 48 : index
        %get3A_621 = tpu.vector_load %arg6[%get3A_618, %get3A_619, %get3A_620] {strides = array<i32>} : memref<4x200x64xf32, #tpu.memory_space<vmem>>, vector<1x1x16xf32>,
        %get3A_622 = vector.shape_cast %get3A_621 : vector<1x1x16xf32> to vector<16xf32>
        %add3A_623 = arith.addf %add3A_591, %get3A_622 : vector<16xf32>
        scf.yield %add3A_602, %add3A_609, %add3A_616, %add3A_623 : vector<16xf32>, vector<16xf32>, vector<16xf32>, vector<16xf32>
      }
      %scan3A_133 = arith.constant 25 : i32
      %swap3A = arith.index_cast %add3A_97 : i32 to index
      %swap3A_134 = arith.constant 0 : index
      %swap3A_135 = tpu.vector_load %arg7[%swap3A, %swap3A_134] {strides = array<i32>} : memref<128x64xf32, #tpu.memory_space<vmem>>, vector<1x16xf32>,
      %swap3A_136 = vector.shape_cast %swap3A_135 : vector<1x16xf32> to vector<16xf32>
      %swap3A_137 = vector.shape_cast %scan3A_132#0 : vector<16xf32> to vector<1x16xf32>
      tpu.vector_store %arg7[%swap3A, %swap3A_134], %swap3A_137 {strides = array<i32>} : memref<128x64xf32, #tpu.memory_space<vmem>>, vector<1x16xf32>,
      %swap3A_138 = arith.index_cast %add3A_97 : i32 to index
      %swap3A_139 = arith.constant 16 : index
      %swap3A_140 = tpu.vector_load %arg7[%swap3A_138, %swap3A_139] {strides = array<i32>} : memref<128x64xf32, #tpu.memory_space<vmem>>, vector<1x16xf32>,
      %swap3A_141 = vector.shape_cast %swap3A_140 : vector<1x16xf32> to vector<16xf32>
      %swap3A_142 = vector.shape_cast %scan3A_132#1 : vector<16xf32> to vector<1x16xf32>
      tpu.vector_store %arg7[%swap3A_138, %swap3A_139], %swap3A_142 {strides = array<i32>} : memref<128x64xf32, #tpu.memory_space<vmem>>, vector<1x16xf32>,
      %swap3A_143 = arith.index_cast %add3A_97 : i32 to index
      %swap3A_144 = arith.constant 32 : index
      %swap3A_145 = tpu.vector_load %arg7[%swap3A_143, %swap3A_144] {strides = array<i32>} : memref<128x64xf32, #tpu.memory_space<vmem>>, vector<1x16xf32>,
      %swap3A_146 = vector.shape_cast %swap3A_145 : vector<1x16xf32> to vector<16xf32>
      %swap3A_147 = vector.shape_cast %scan3A_132#2 : vector<16xf32> to vector<1x16xf32>
      tpu.vector_store %arg7[%swap3A_143, %swap3A_144], %swap3A_147 {strides = array<i32>} : memref<128x64xf32, #tpu.memory_space<vmem>>, vector<1x16xf32>,
      %swap3A_148 = arith.index_cast %add3A_97 : i32 to index
      %swap3A_149 = arith.constant 48 : index
      %swap3A_150 = tpu.vector_load %arg7[%swap3A_148, %swap3A_149] {strides = array<i32>} : memref<128x64xf32, #tpu.memory_space<vmem>>, vector<1x16xf32>,
      %swap3A_151 = vector.shape_cast %swap3A_150 : vector<1x16xf32> to vector<16xf32>
      %swap3A_152 = vector.shape_cast %scan3A_132#3 : vector<16xf32> to vector<1x16xf32>
      tpu.vector_store %arg7[%swap3A_148, %swap3A_149], %swap3A_152 {strides = array<i32>} : memref<128x64xf32, #tpu.memory_space<vmem>>, vector<1x16xf32>,
      %add3A_153 = arith.constant 4 : i32
      %add3A_154 = arith.addi %add3A_97, %add3A_153 : i32
      %lt3A = arith.constant 128 : i32
      %lt3A_155 = arith.cmpi slt, %add3A_154, %lt3A : i32
      %convert_element_type3A = arith.extui %lt3A_155 : i1 to i32
      %cond3A = arith.constant 0 : i32
      %cond3A_156 = arith.cmpi ne, %convert_element_type3A, %cond3A : i32
      scf.if %cond3A_156 {
        %add3A_364 = arith.constant 4 : i32
        %add3A_365 = arith.addi %add3A_97, %add3A_364 : i32
        %mul3A_366 = arith.constant 200 : i32
        %mul3A_367 = arith.muli %add3A_365, %mul3A_366 : i32
        %dma_start3A_368 = arith.constant 0 : i32
        %dma_start3A_369 = arith.constant 0 : i32
        %dma_start3A_370 = arith.constant 0 : i32
        %dma_start3A_371 = tpu.memref_slice %arg6[%dma_start3A_368, %dma_start3A_369, %dma_start3A_370] : memref<4x200x64xf32, #tpu.memory_space<vmem>> -> memref<1x128x64xf32, #tpu.memory_space<vmem>>
        %dma_start3A_372 = tpu.memref_squeeze %dma_start3A_371 : memref<1x128x64xf32, #tpu.memory_space<vmem>> -> memref<128x64xf32, #tpu.memory_space<vmem>>
        %dma_start3A_373 = tpu.memref_slice %arg5[%mul3A_367] : memref<25600xi32, #tpu.memory_space<vmem>> -> memref<128xi32, #tpu.memory_space<vmem>>
        %dma_start3A_374 = arith.constant 0 : i32
        %dma_start3A_375 = arith.constant 0 : i32
        %dma_start3A_376 = tpu.memref_slice %arg3[%dma_start3A_374, %dma_start3A_375] : memref<1007616x64xf32, #tpu.memory_space<hbm>> -> memref<1007616x64xf32, #tpu.memory_space<hbm>>
        tpu.enqueue_indirect_dma source(%dma_start3A_376 : memref<1007616x64xf32, #tpu.memory_space<hbm>>) target(%dma_start3A_372 : memref<128x64xf32, #tpu.memory_space<vmem>>) offsets(%dma_start3A_373 : memref<128xi32, #tpu.memory_space<vmem>>) semaphore(%arg8 : memref<!tpu.dma_semaphore, #tpu.memory_space<semaphore_mem>>)
        %mul3A_377 = arith.constant 200 : i32
        %mul3A_378 = arith.muli %add3A_365, %mul3A_377 : i32
        %add3A_379 = arith.constant 128 : i32
        %add3A_380 = arith.addi %mul3A_378, %add3A_379 : i32
        %dma_start3A_381 = arith.constant 0 : i32
        %dma_start3A_382 = arith.constant 128 : i32
        %dma_start3A_383 = arith.constant 0 : i32
        %dma_start3A_384 = tpu.memref_slice %arg6[%dma_start3A_381, %dma_start3A_382, %dma_start3A_383] : memref<4x200x64xf32, #tpu.memory_space<vmem>> -> memref<1x72x64xf32, #tpu.memory_space<vmem>>
        %dma_start3A_385 = tpu.memref_squeeze %dma_start3A_384 : memref<1x72x64xf32, #tpu.memory_space<vmem>> -> memref<72x64xf32, #tpu.memory_space<vmem>>
        %dma_start3A_386 = tpu.memref_slice %arg5[%add3A_380] : memref<25600xi32, #tpu.memory_space<vmem>> -> memref<72xi32, #tpu.memory_space<vmem>>
        %dma_start3A_387 = arith.constant 0 : i32
        %dma_start3A_388 = arith.constant 0 : i32
        %dma_start3A_389 = tpu.memref_slice %arg3[%dma_start3A_387, %dma_start3A_388] : memref<1007616x64xf32, #tpu.memory_space<hbm>> -> memref<1007616x64xf32, #tpu.memory_space<hbm>>
        tpu.enqueue_indirect_dma source(%dma_start3A_389 : memref<1007616x64xf32, #tpu.memory_space<hbm>>) target(%dma_start3A_385 : memref<72x64xf32, #tpu.memory_space<vmem>>) offsets(%dma_start3A_386 : memref<72xi32, #tpu.memory_space<vmem>>) semaphore(%arg8 : memref<!tpu.dma_semaphore, #tpu.memory_space<semaphore_mem>>)
      } else {
      }
      %mul3A_157 = arith.constant 4 : i32
      %mul3A_158 = arith.muli %mul3A_157, %scan3A_93 : i32
      %add3A_159 = arith.constant 1 : i32
      %add3A_160 = arith.addi %mul3A_158, %add3A_159 : i32
      %mul3A_161 = arith.constant 200 : i32
      %mul3A_162 = arith.muli %add3A_160, %mul3A_161 : i32
      %dma_wait3A_163 = arith.constant 1 : i32
      %dma_wait3A_164 = arith.constant 0 : i32
      %dma_wait3A_165 = arith.constant 0 : i32
      %dma_wait3A_166 = tpu.memref_slice %arg6[%dma_wait3A_163, %dma_wait3A_164, %dma_wait3A_165] : memref<4x200x64xf32, #tpu.memory_space<vmem>> -> memref<1x128x64xf32, #tpu.memory_space<vmem>>
      %dma_wait3A_167 = tpu.memref_squeeze %dma_wait3A_166 : memref<1x128x64xf32, #tpu.memory_space<vmem>> -> memref<128x64xf32, #tpu.memory_space<vmem>>
      %dma_wait3A_168 = tpu.memref_slice %arg5[%mul3A_162] : memref<25600xi32, #tpu.memory_space<vmem>> -> memref<128xi32, #tpu.memory_space<vmem>>
      %dma_wait3A_169 = arith.constant 0 : i32
      %dma_wait3A_170 = arith.constant 0 : i32
      %dma_wait3A_171 = tpu.memref_slice %arg3[%dma_wait3A_169, %dma_wait3A_170] : memref<1007616x64xf32, #tpu.memory_space<hbm>> -> memref<1007616x64xf32, #tpu.memory_space<hbm>>
      tpu.wait_indirect_dma semaphore(%arg9 : memref<!tpu.dma_semaphore, #tpu.memory_space<semaphore_mem>>) src(%dma_wait3A_171 : memref<1007616x64xf32, #tpu.memory_space<hbm>>) dst(%dma_wait3A_167 : memref<128x64xf32, #tpu.memory_space<vmem>>)
      %mul3A_172 = arith.constant 200 : i32
      %mul3A_173 = arith.muli %add3A_160, %mul3A_172 : i32
      %add3A_174 = arith.constant 128 : i32
      %add3A_175 = arith.addi %mul3A_173, %add3A_174 : i32
      %dma_wait3A_176 = arith.constant 1 : i32
      %dma_wait3A_177 = arith.constant 128 : i32
      %dma_wait3A_178 = arith.constant 0 : i32
      %dma_wait3A_179 = tpu.memref_slice %arg6[%dma_wait3A_176, %dma_wait3A_177, %dma_wait3A_178] : memref<4x200x64xf32, #tpu.memory_space<vmem>> -> memref<1x72x64xf32, #tpu.memory_space<vmem>>
      %dma_wait3A_180 = tpu.memref_squeeze %dma_wait3A_179 : memref<1x72x64xf32, #tpu.memory_space<vmem>> -> memref<72x64xf32, #tpu.memory_space<vmem>>
      %dma_wait3A_181 = tpu.memref_slice %arg5[%add3A_175] : memref<25600xi32, #tpu.memory_space<vmem>> -> memref<72xi32, #tpu.memory_space<vmem>>
      %dma_wait3A_182 = arith.constant 0 : i32
      %dma_wait3A_183 = arith.constant 0 : i32
      %dma_wait3A_184 = tpu.memref_slice %arg3[%dma_wait3A_182, %dma_wait3A_183] : memref<1007616x64xf32, #tpu.memory_space<hbm>> -> memref<1007616x64xf32, #tpu.memory_space<hbm>>
      tpu.wait_indirect_dma semaphore(%arg9 : memref<!tpu.dma_semaphore, #tpu.memory_space<semaphore_mem>>) src(%dma_wait3A_184 : memref<1007616x64xf32, #tpu.memory_space<hbm>>) dst(%dma_wait3A_180 : memref<72x64xf32, #tpu.memory_space<vmem>>)
      %broadcast_in_dim3A_185 = arith.constant 0.000000e+00 : f32
      %broadcast_in_dim3A_186 = vector.broadcast %broadcast_in_dim3A_185 : f32 to vector<16xf32>
      %broadcast_in_dim3A_187 = arith.constant 0.000000e+00 : f32
      %broadcast_in_dim3A_188 = vector.broadcast %broadcast_in_dim3A_187 : f32 to vector<16xf32>
      %broadcast_in_dim3A_189 = arith.constant 0.000000e+00 : f32
      %broadcast_in_dim3A_190 = vector.broadcast %broadcast_in_dim3A_189 : f32 to vector<16xf32>
      %broadcast_in_dim3A_191 = arith.constant 0.000000e+00 : f32
      %broadcast_in_dim3A_192 = vector.broadcast %broadcast_in_dim3A_191 : f32 to vector<16xf32>
      %scan3A_193 = arith.constant 0 : i32
      %scan3A_194 = arith.constant 25 : i32
      %scan3A_195 = arith.addi %scan3A_193, %scan3A_194 : i32
      %scan3A_196 = arith.constant 1 : i32
      %scan3A_197:4 = scf.for %scan3A_364 = %scan3A_193 to %scan3A_195 step %scan3A_196 iter_args(%scan3A_365 = %broadcast_in_dim3A_186, %scan3A_366 = %broadcast_in_dim3A_188, %scan3A_367 = %broadcast_in_dim3A_190, %scan3A_368 = %broadcast_in_dim3A_192) -> (vector<16xf32>, vector<16xf32>, vector<16xf32>, vector<16xf32>)  : i32 {
        %mul3A_369 = arith.constant 8 : i32
        %mul3A_370 = arith.muli %scan3A_364, %mul3A_369 : i32
        %add3A_371 = arith.constant 0 : i32
        %add3A_372 = arith.addi %mul3A_370, %add3A_371 : i32
        %get3A = arith.constant 1 : i32
        %get3A_373 = arith.index_cast %get3A : i32 to index
        %get3A_374 = arith.index_cast %add3A_372 : i32 to index
        %get3A_375 = arith.constant 0 : index
        %get3A_376 = tpu.vector_load %arg6[%get3A_373, %get3A_374, %get3A_375] {strides = array<i32>} : memref<4x200x64xf32, #tpu.memory_space<vmem>>, vector<1x1x16xf32>,
        %get3A_377 = vector.shape_cast %get3A_376 : vector<1x1x16xf32> to vector<16xf32>
        %add3A_378 = arith.addf %scan3A_365, %get3A_377 : vector<16xf32>
        %get3A_379 = arith.constant 1 : i32
        %get3A_380 = arith.index_cast %get3A_379 : i32 to index
        %get3A_381 = arith.index_cast %add3A_372 : i32 to index
        %get3A_382 = arith.constant 16 : index
        %get3A_383 = tpu.vector_load %arg6[%get3A_380, %get3A_381, %get3A_382] {strides = array<i32>} : memref<4x200x64xf32, #tpu.memory_space<vmem>>, vector<1x1x16xf32>,
        %get3A_384 = vector.shape_cast %get3A_383 : vector<1x1x16xf32> to vector<16xf32>
        %add3A_385 = arith.addf %scan3A_366, %get3A_384 : vector<16xf32>
        %get3A_386 = arith.constant 1 : i32
        %get3A_387 = arith.index_cast %get3A_386 : i32 to index
        %get3A_388 = arith.index_cast %add3A_372 : i32 to index
        %get3A_389 = arith.constant 32 : index
        %get3A_390 = tpu.vector_load %arg6[%get3A_387, %get3A_388, %get3A_389] {strides = array<i32>} : memref<4x200x64xf32, #tpu.memory_space<vmem>>, vector<1x1x16xf32>,
        %get3A_391 = vector.shape_cast %get3A_390 : vector<1x1x16xf32> to vector<16xf32>
        %add3A_392 = arith.addf %scan3A_367, %get3A_391 : vector<16xf32>
        %get3A_393 = arith.constant 1 : i32
        %get3A_394 = arith.index_cast %get3A_393 : i32 to index
        %get3A_395 = arith.index_cast %add3A_372 : i32 to index
        %get3A_396 = arith.constant 48 : index
        %get3A_397 = tpu.vector_load %arg6[%get3A_394, %get3A_395, %get3A_396] {strides = array<i32>} : memref<4x200x64xf32, #tpu.memory_space<vmem>>, vector<1x1x16xf32>,
        %get3A_398 = vector.shape_cast %get3A_397 : vector<1x1x16xf32> to vector<16xf32>
        %add3A_399 = arith.addf %scan3A_368, %get3A_398 : vector<16xf32>
        %mul3A_400 = arith.constant 8 : i32
        %mul3A_401 = arith.muli %scan3A_364, %mul3A_400 : i32
        %add3A_402 = arith.constant 1 : i32
        %add3A_403 = arith.addi %mul3A_401, %add3A_402 : i32
        %get3A_404 = arith.constant 1 : i32
        %get3A_405 = arith.index_cast %get3A_404 : i32 to index
        %get3A_406 = arith.index_cast %add3A_403 : i32 to index
        %get3A_407 = arith.constant 0 : index
        %get3A_408 = tpu.vector_load %arg6[%get3A_405, %get3A_406, %get3A_407] {strides = array<i32>} : memref<4x200x64xf32, #tpu.memory_space<vmem>>, vector<1x1x16xf32>,
        %get3A_409 = vector.shape_cast %get3A_408 : vector<1x1x16xf32> to vector<16xf32>
        %add3A_410 = arith.addf %add3A_378, %get3A_409 : vector<16xf32>
        %get3A_411 = arith.constant 1 : i32
        %get3A_412 = arith.index_cast %get3A_411 : i32 to index
        %get3A_413 = arith.index_cast %add3A_403 : i32 to index
        %get3A_414 = arith.constant 16 : index
        %get3A_415 = tpu.vector_load %arg6[%get3A_412, %get3A_413, %get3A_414] {strides = array<i32>} : memref<4x200x64xf32, #tpu.memory_space<vmem>>, vector<1x1x16xf32>,
        %get3A_416 = vector.shape_cast %get3A_415 : vector<1x1x16xf32> to vector<16xf32>
        %add3A_417 = arith.addf %add3A_385, %get3A_416 : vector<16xf32>
        %get3A_418 = arith.constant 1 : i32
        %get3A_419 = arith.index_cast %get3A_418 : i32 to index
        %get3A_420 = arith.index_cast %add3A_403 : i32 to index
        %get3A_421 = arith.constant 32 : index
        %get3A_422 = tpu.vector_load %arg6[%get3A_419, %get3A_420, %get3A_421] {strides = array<i32>} : memref<4x200x64xf32, #tpu.memory_space<vmem>>, vector<1x1x16xf32>,
        %get3A_423 = vector.shape_cast %get3A_422 : vector<1x1x16xf32> to vector<16xf32>
        %add3A_424 = arith.addf %add3A_392, %get3A_423 : vector<16xf32>
        %get3A_425 = arith.constant 1 : i32
        %get3A_426 = arith.index_cast %get3A_425 : i32 to index
        %get3A_427 = arith.index_cast %add3A_403 : i32 to index
        %get3A_428 = arith.constant 48 : index
        %get3A_429 = tpu.vector_load %arg6[%get3A_426, %get3A_427, %get3A_428] {strides = array<i32>} : memref<4x200x64xf32, #tpu.memory_space<vmem>>, vector<1x1x16xf32>,
        %get3A_430 = vector.shape_cast %get3A_429 : vector<1x1x16xf32> to vector<16xf32>
        %add3A_431 = arith.addf %add3A_399, %get3A_430 : vector<16xf32>
        %mul3A_432 = arith.constant 8 : i32
        %mul3A_433 = arith.muli %scan3A_364, %mul3A_432 : i32
        %add3A_434 = arith.constant 2 : i32
        %add3A_435 = arith.addi %mul3A_433, %add3A_434 : i32
        %get3A_436 = arith.constant 1 : i32
        %get3A_437 = arith.index_cast %get3A_436 : i32 to index
        %get3A_438 = arith.index_cast %add3A_435 : i32 to index
        %get3A_439 = arith.constant 0 : index
        %get3A_440 = tpu.vector_load %arg6[%get3A_437, %get3A_438, %get3A_439] {strides = array<i32>} : memref<4x200x64xf32, #tpu.memory_space<vmem>>, vector<1x1x16xf32>,
        %get3A_441 = vector.shape_cast %get3A_440 : vector<1x1x16xf32> to vector<16xf32>
        %add3A_442 = arith.addf %add3A_410, %get3A_441 : vector<16xf32>
        %get3A_443 = arith.constant 1 : i32
        %get3A_444 = arith.index_cast %get3A_443 : i32 to index
        %get3A_445 = arith.index_cast %add3A_435 : i32 to index
        %get3A_446 = arith.constant 16 : index
        %get3A_447 = tpu.vector_load %arg6[%get3A_444, %get3A_445, %get3A_446] {strides = array<i32>} : memref<4x200x64xf32, #tpu.memory_space<vmem>>, vector<1x1x16xf32>,
        %get3A_448 = vector.shape_cast %get3A_447 : vector<1x1x16xf32> to vector<16xf32>
        %add3A_449 = arith.addf %add3A_417, %get3A_448 : vector<16xf32>
        %get3A_450 = arith.constant 1 : i32
        %get3A_451 = arith.index_cast %get3A_450 : i32 to index
        %get3A_452 = arith.index_cast %add3A_435 : i32 to index
        %get3A_453 = arith.constant 32 : index
        %get3A_454 = tpu.vector_load %arg6[%get3A_451, %get3A_452, %get3A_453] {strides = array<i32>} : memref<4x200x64xf32, #tpu.memory_space<vmem>>, vector<1x1x16xf32>,
        %get3A_455 = vector.shape_cast %get3A_454 : vector<1x1x16xf32> to vector<16xf32>
        %add3A_456 = arith.addf %add3A_424, %get3A_455 : vector<16xf32>
        %get3A_457 = arith.constant 1 : i32
        %get3A_458 = arith.index_cast %get3A_457 : i32 to index
        %get3A_459 = arith.index_cast %add3A_435 : i32 to index
        %get3A_460 = arith.constant 48 : index
        %get3A_461 = tpu.vector_load %arg6[%get3A_458, %get3A_459, %get3A_460] {strides = array<i32>} : memref<4x200x64xf32, #tpu.memory_space<vmem>>, vector<1x1x16xf32>,
        %get3A_462 = vector.shape_cast %get3A_461 : vector<1x1x16xf32> to vector<16xf32>
        %add3A_463 = arith.addf %add3A_431, %get3A_462 : vector<16xf32>
        %mul3A_464 = arith.constant 8 : i32
        %mul3A_465 = arith.muli %scan3A_364, %mul3A_464 : i32
        %add3A_466 = arith.constant 3 : i32
        %add3A_467 = arith.addi %mul3A_465, %add3A_466 : i32
        %get3A_468 = arith.constant 1 : i32
        %get3A_469 = arith.index_cast %get3A_468 : i32 to index
        %get3A_470 = arith.index_cast %add3A_467 : i32 to index
        %get3A_471 = arith.constant 0 : index
        %get3A_472 = tpu.vector_load %arg6[%get3A_469, %get3A_470, %get3A_471] {strides = array<i32>} : memref<4x200x64xf32, #tpu.memory_space<vmem>>, vector<1x1x16xf32>,
        %get3A_473 = vector.shape_cast %get3A_472 : vector<1x1x16xf32> to vector<16xf32>
        %add3A_474 = arith.addf %add3A_442, %get3A_473 : vector<16xf32>
        %get3A_475 = arith.constant 1 : i32
        %get3A_476 = arith.index_cast %get3A_475 : i32 to index
        %get3A_477 = arith.index_cast %add3A_467 : i32 to index
        %get3A_478 = arith.constant 16 : index
        %get3A_479 = tpu.vector_load %arg6[%get3A_476, %get3A_477, %get3A_478] {strides = array<i32>} : memref<4x200x64xf32, #tpu.memory_space<vmem>>, vector<1x1x16xf32>,
        %get3A_480 = vector.shape_cast %get3A_479 : vector<1x1x16xf32> to vector<16xf32>
        %add3A_481 = arith.addf %add3A_449, %get3A_480 : vector<16xf32>
        %get3A_482 = arith.constant 1 : i32
        %get3A_483 = arith.index_cast %get3A_482 : i32 to index
        %get3A_484 = arith.index_cast %add3A_467 : i32 to index
        %get3A_485 = arith.constant 32 : index
        %get3A_486 = tpu.vector_load %arg6[%get3A_483, %get3A_484, %get3A_485] {strides = array<i32>} : memref<4x200x64xf32, #tpu.memory_space<vmem>>, vector<1x1x16xf32>,
        %get3A_487 = vector.shape_cast %get3A_486 : vector<1x1x16xf32> to vector<16xf32>
        %add3A_488 = arith.addf %add3A_456, %get3A_487 : vector<16xf32>
        %get3A_489 = arith.constant 1 : i32
        %get3A_490 = arith.index_cast %get3A_489 : i32 to index
        %get3A_491 = arith.index_cast %add3A_467 : i32 to index
        %get3A_492 = arith.constant 48 : index
        %get3A_493 = tpu.vector_load %arg6[%get3A_490, %get3A_491, %get3A_492] {strides = array<i32>} : memref<4x200x64xf32, #tpu.memory_space<vmem>>, vector<1x1x16xf32>,
        %get3A_494 = vector.shape_cast %get3A_493 : vector<1x1x16xf32> to vector<16xf32>
        %add3A_495 = arith.addf %add3A_463, %get3A_494 : vector<16xf32>
        %mul3A_496 = arith.constant 8 : i32
        %mul3A_497 = arith.muli %scan3A_364, %mul3A_496 : i32
        %add3A_498 = arith.constant 4 : i32
        %add3A_499 = arith.addi %mul3A_497, %add3A_498 : i32
        %get3A_500 = arith.constant 1 : i32
        %get3A_501 = arith.index_cast %get3A_500 : i32 to index
        %get3A_502 = arith.index_cast %add3A_499 : i32 to index
        %get3A_503 = arith.constant 0 : index
        %get3A_504 = tpu.vector_load %arg6[%get3A_501, %get3A_502, %get3A_503] {strides = array<i32>} : memref<4x200x64xf32, #tpu.memory_space<vmem>>, vector<1x1x16xf32>,
        %get3A_505 = vector.shape_cast %get3A_504 : vector<1x1x16xf32> to vector<16xf32>
        %add3A_506 = arith.addf %add3A_474, %get3A_505 : vector<16xf32>
        %get3A_507 = arith.constant 1 : i32
        %get3A_508 = arith.index_cast %get3A_507 : i32 to index
        %get3A_509 = arith.index_cast %add3A_499 : i32 to index
        %get3A_510 = arith.constant 16 : index
        %get3A_511 = tpu.vector_load %arg6[%get3A_508, %get3A_509, %get3A_510] {strides = array<i32>} : memref<4x200x64xf32, #tpu.memory_space<vmem>>, vector<1x1x16xf32>,
        %get3A_512 = vector.shape_cast %get3A_511 : vector<1x1x16xf32> to vector<16xf32>
        %add3A_513 = arith.addf %add3A_481, %get3A_512 : vector<16xf32>
        %get3A_514 = arith.constant 1 : i32
        %get3A_515 = arith.index_cast %get3A_514 : i32 to index
        %get3A_516 = arith.index_cast %add3A_499 : i32 to index
        %get3A_517 = arith.constant 32 : index
        %get3A_518 = tpu.vector_load %arg6[%get3A_515, %get3A_516, %get3A_517] {strides = array<i32>} : memref<4x200x64xf32, #tpu.memory_space<vmem>>, vector<1x1x16xf32>,
        %get3A_519 = vector.shape_cast %get3A_518 : vector<1x1x16xf32> to vector<16xf32>
        %add3A_520 = arith.addf %add3A_488, %get3A_519 : vector<16xf32>
        %get3A_521 = arith.constant 1 : i32
        %get3A_522 = arith.index_cast %get3A_521 : i32 to index
        %get3A_523 = arith.index_cast %add3A_499 : i32 to index
        %get3A_524 = arith.constant 48 : index
        %get3A_525 = tpu.vector_load %arg6[%get3A_522, %get3A_523, %get3A_524] {strides = array<i32>} : memref<4x200x64xf32, #tpu.memory_space<vmem>>, vector<1x1x16xf32>,
        %get3A_526 = vector.shape_cast %get3A_525 : vector<1x1x16xf32> to vector<16xf32>
        %add3A_527 = arith.addf %add3A_495, %get3A_526 : vector<16xf32>
        %mul3A_528 = arith.constant 8 : i32
        %mul3A_529 = arith.muli %scan3A_364, %mul3A_528 : i32
        %add3A_530 = arith.constant 5 : i32
        %add3A_531 = arith.addi %mul3A_529, %add3A_530 : i32
        %get3A_532 = arith.constant 1 : i32
        %get3A_533 = arith.index_cast %get3A_532 : i32 to index
        %get3A_534 = arith.index_cast %add3A_531 : i32 to index
        %get3A_535 = arith.constant 0 : index
        %get3A_536 = tpu.vector_load %arg6[%get3A_533, %get3A_534, %get3A_535] {strides = array<i32>} : memref<4x200x64xf32, #tpu.memory_space<vmem>>, vector<1x1x16xf32>,
        %get3A_537 = vector.shape_cast %get3A_536 : vector<1x1x16xf32> to vector<16xf32>
        %add3A_538 = arith.addf %add3A_506, %get3A_537 : vector<16xf32>
        %get3A_539 = arith.constant 1 : i32
        %get3A_540 = arith.index_cast %get3A_539 : i32 to index
        %get3A_541 = arith.index_cast %add3A_531 : i32 to index
        %get3A_542 = arith.constant 16 : index
        %get3A_543 = tpu.vector_load %arg6[%get3A_540, %get3A_541, %get3A_542] {strides = array<i32>} : memref<4x200x64xf32, #tpu.memory_space<vmem>>, vector<1x1x16xf32>,
        %get3A_544 = vector.shape_cast %get3A_543 : vector<1x1x16xf32> to vector<16xf32>
        %add3A_545 = arith.addf %add3A_513, %get3A_544 : vector<16xf32>
        %get3A_546 = arith.constant 1 : i32
        %get3A_547 = arith.index_cast %get3A_546 : i32 to index
        %get3A_548 = arith.index_cast %add3A_531 : i32 to index
        %get3A_549 = arith.constant 32 : index
        %get3A_550 = tpu.vector_load %arg6[%get3A_547, %get3A_548, %get3A_549] {strides = array<i32>} : memref<4x200x64xf32, #tpu.memory_space<vmem>>, vector<1x1x16xf32>,
        %get3A_551 = vector.shape_cast %get3A_550 : vector<1x1x16xf32> to vector<16xf32>
        %add3A_552 = arith.addf %add3A_520, %get3A_551 : vector<16xf32>
        %get3A_553 = arith.constant 1 : i32
        %get3A_554 = arith.index_cast %get3A_553 : i32 to index
        %get3A_555 = arith.index_cast %add3A_531 : i32 to index
        %get3A_556 = arith.constant 48 : index
        %get3A_557 = tpu.vector_load %arg6[%get3A_554, %get3A_555, %get3A_556] {strides = array<i32>} : memref<4x200x64xf32, #tpu.memory_space<vmem>>, vector<1x1x16xf32>,
        %get3A_558 = vector.shape_cast %get3A_557 : vector<1x1x16xf32> to vector<16xf32>
        %add3A_559 = arith.addf %add3A_527, %get3A_558 : vector<16xf32>
        %mul3A_560 = arith.constant 8 : i32
        %mul3A_561 = arith.muli %scan3A_364, %mul3A_560 : i32
        %add3A_562 = arith.constant 6 : i32
        %add3A_563 = arith.addi %mul3A_561, %add3A_562 : i32
        %get3A_564 = arith.constant 1 : i32
        %get3A_565 = arith.index_cast %get3A_564 : i32 to index
        %get3A_566 = arith.index_cast %add3A_563 : i32 to index
        %get3A_567 = arith.constant 0 : index
        %get3A_568 = tpu.vector_load %arg6[%get3A_565, %get3A_566, %get3A_567] {strides = array<i32>} : memref<4x200x64xf32, #tpu.memory_space<vmem>>, vector<1x1x16xf32>,
        %get3A_569 = vector.shape_cast %get3A_568 : vector<1x1x16xf32> to vector<16xf32>
        %add3A_570 = arith.addf %add3A_538, %get3A_569 : vector<16xf32>
        %get3A_571 = arith.constant 1 : i32
        %get3A_572 = arith.index_cast %get3A_571 : i32 to index
        %get3A_573 = arith.index_cast %add3A_563 : i32 to index
        %get3A_574 = arith.constant 16 : index
        %get3A_575 = tpu.vector_load %arg6[%get3A_572, %get3A_573, %get3A_574] {strides = array<i32>} : memref<4x200x64xf32, #tpu.memory_space<vmem>>, vector<1x1x16xf32>,
        %get3A_576 = vector.shape_cast %get3A_575 : vector<1x1x16xf32> to vector<16xf32>
        %add3A_577 = arith.addf %add3A_545, %get3A_576 : vector<16xf32>
        %get3A_578 = arith.constant 1 : i32
        %get3A_579 = arith.index_cast %get3A_578 : i32 to index
        %get3A_580 = arith.index_cast %add3A_563 : i32 to index
        %get3A_581 = arith.constant 32 : index
        %get3A_582 = tpu.vector_load %arg6[%get3A_579, %get3A_580, %get3A_581] {strides = array<i32>} : memref<4x200x64xf32, #tpu.memory_space<vmem>>, vector<1x1x16xf32>,
        %get3A_583 = vector.shape_cast %get3A_582 : vector<1x1x16xf32> to vector<16xf32>
        %add3A_584 = arith.addf %add3A_552, %get3A_583 : vector<16xf32>
        %get3A_585 = arith.constant 1 : i32
        %get3A_586 = arith.index_cast %get3A_585 : i32 to index
        %get3A_587 = arith.index_cast %add3A_563 : i32 to index
        %get3A_588 = arith.constant 48 : index
        %get3A_589 = tpu.vector_load %arg6[%get3A_586, %get3A_587, %get3A_588] {strides = array<i32>} : memref<4x200x64xf32, #tpu.memory_space<vmem>>, vector<1x1x16xf32>,
        %get3A_590 = vector.shape_cast %get3A_589 : vector<1x1x16xf32> to vector<16xf32>
        %add3A_591 = arith.addf %add3A_559, %get3A_590 : vector<16xf32>
        %mul3A_592 = arith.constant 8 : i32
        %mul3A_593 = arith.muli %scan3A_364, %mul3A_592 : i32
        %add3A_594 = arith.constant 7 : i32
        %add3A_595 = arith.addi %mul3A_593, %add3A_594 : i32
        %get3A_596 = arith.constant 1 : i32
        %get3A_597 = arith.index_cast %get3A_596 : i32 to index
        %get3A_598 = arith.index_cast %add3A_595 : i32 to index
        %get3A_599 = arith.constant 0 : index
        %get3A_600 = tpu.vector_load %arg6[%get3A_597, %get3A_598, %get3A_599] {strides = array<i32>} : memref<4x200x64xf32, #tpu.memory_space<vmem>>, vector<1x1x16xf32>,
        %get3A_601 = vector.shape_cast %get3A_600 : vector<1x1x16xf32> to vector<16xf32>
        %add3A_602 = arith.addf %add3A_570, %get3A_601 : vector<16xf32>
        %get3A_603 = arith.constant 1 : i32
        %get3A_604 = arith.index_cast %get3A_603 : i32 to index
        %get3A_605 = arith.index_cast %add3A_595 : i32 to index
        %get3A_606 = arith.constant 16 : index
        %get3A_607 = tpu.vector_load %arg6[%get3A_604, %get3A_605, %get3A_606] {strides = array<i32>} : memref<4x200x64xf32, #tpu.memory_space<vmem>>, vector<1x1x16xf32>,
        %get3A_608 = vector.shape_cast %get3A_607 : vector<1x1x16xf32> to vector<16xf32>
        %add3A_609 = arith.addf %add3A_577, %get3A_608 : vector<16xf32>
        %get3A_610 = arith.constant 1 : i32
        %get3A_611 = arith.index_cast %get3A_610 : i32 to index
        %get3A_612 = arith.index_cast %add3A_595 : i32 to index
        %get3A_613 = arith.constant 32 : index
        %get3A_614 = tpu.vector_load %arg6[%get3A_611, %get3A_612, %get3A_613] {strides = array<i32>} : memref<4x200x64xf32, #tpu.memory_space<vmem>>, vector<1x1x16xf32>,
        %get3A_615 = vector.shape_cast %get3A_614 : vector<1x1x16xf32> to vector<16xf32>
        %add3A_616 = arith.addf %add3A_584, %get3A_615 : vector<16xf32>
        %get3A_617 = arith.constant 1 : i32
        %get3A_618 = arith.index_cast %get3A_617 : i32 to index
        %get3A_619 = arith.index_cast %add3A_595 : i32 to index
        %get3A_620 = arith.constant 48 : index
        %get3A_621 = tpu.vector_load %arg6[%get3A_618, %get3A_619, %get3A_620] {strides = array<i32>} : memref<4x200x64xf32, #tpu.memory_space<vmem>>, vector<1x1x16xf32>,
        %get3A_622 = vector.shape_cast %get3A_621 : vector<1x1x16xf32> to vector<16xf32>
        %add3A_623 = arith.addf %add3A_591, %get3A_622 : vector<16xf32>
        scf.yield %add3A_602, %add3A_609, %add3A_616, %add3A_623 : vector<16xf32>, vector<16xf32>, vector<16xf32>, vector<16xf32>
      }
      %scan3A_198 = arith.constant 25 : i32
      %swap3A_199 = arith.index_cast %add3A_160 : i32 to index
      %swap3A_200 = arith.constant 0 : index
      %swap3A_201 = tpu.vector_load %arg7[%swap3A_199, %swap3A_200] {strides = array<i32>} : memref<128x64xf32, #tpu.memory_space<vmem>>, vector<1x16xf32>,
      %swap3A_202 = vector.shape_cast %swap3A_201 : vector<1x16xf32> to vector<16xf32>
      %swap3A_203 = vector.shape_cast %scan3A_197#0 : vector<16xf32> to vector<1x16xf32>
      tpu.vector_store %arg7[%swap3A_199, %swap3A_200], %swap3A_203 {strides = array<i32>} : memref<128x64xf32, #tpu.memory_space<vmem>>, vector<1x16xf32>,
      %swap3A_204 = arith.index_cast %add3A_160 : i32 to index
      %swap3A_205 = arith.constant 16 : index
      %swap3A_206 = tpu.vector_load %arg7[%swap3A_204, %swap3A_205] {strides = array<i32>} : memref<128x64xf32, #tpu.memory_space<vmem>>, vector<1x16xf32>,
      %swap3A_207 = vector.shape_cast %swap3A_206 : vector<1x16xf32> to vector<16xf32>
      %swap3A_208 = vector.shape_cast %scan3A_197#1 : vector<16xf32> to vector<1x16xf32>
      tpu.vector_store %arg7[%swap3A_204, %swap3A_205], %swap3A_208 {strides = array<i32>} : memref<128x64xf32, #tpu.memory_space<vmem>>, vector<1x16xf32>,
      %swap3A_209 = arith.index_cast %add3A_160 : i32 to index
      %swap3A_210 = arith.constant 32 : index
      %swap3A_211 = tpu.vector_load %arg7[%swap3A_209, %swap3A_210] {strides = array<i32>} : memref<128x64xf32, #tpu.memory_space<vmem>>, vector<1x16xf32>,
      %swap3A_212 = vector.shape_cast %swap3A_211 : vector<1x16xf32> to vector<16xf32>
      %swap3A_213 = vector.shape_cast %scan3A_197#2 : vector<16xf32> to vector<1x16xf32>
      tpu.vector_store %arg7[%swap3A_209, %swap3A_210], %swap3A_213 {strides = array<i32>} : memref<128x64xf32, #tpu.memory_space<vmem>>, vector<1x16xf32>,
      %swap3A_214 = arith.index_cast %add3A_160 : i32 to index
      %swap3A_215 = arith.constant 48 : index
      %swap3A_216 = tpu.vector_load %arg7[%swap3A_214, %swap3A_215] {strides = array<i32>} : memref<128x64xf32, #tpu.memory_space<vmem>>, vector<1x16xf32>,
      %swap3A_217 = vector.shape_cast %swap3A_216 : vector<1x16xf32> to vector<16xf32>
      %swap3A_218 = vector.shape_cast %scan3A_197#3 : vector<16xf32> to vector<1x16xf32>
      tpu.vector_store %arg7[%swap3A_214, %swap3A_215], %swap3A_218 {strides = array<i32>} : memref<128x64xf32, #tpu.memory_space<vmem>>, vector<1x16xf32>,
      %add3A_219 = arith.constant 4 : i32
      %add3A_220 = arith.addi %add3A_160, %add3A_219 : i32
      %lt3A_221 = arith.constant 128 : i32
      %lt3A_222 = arith.cmpi slt, %add3A_220, %lt3A_221 : i32
      %convert_element_type3A_223 = arith.extui %lt3A_222 : i1 to i32
      %cond3A_224 = arith.constant 0 : i32
      %cond3A_225 = arith.cmpi ne, %convert_element_type3A_223, %cond3A_224 : i32
      scf.if %cond3A_225 {
        %add3A_364 = arith.constant 4 : i32
        %add3A_365 = arith.addi %add3A_160, %add3A_364 : i32
        %mul3A_366 = arith.constant 200 : i32
        %mul3A_367 = arith.muli %add3A_365, %mul3A_366 : i32
        %dma_start3A_368 = arith.constant 1 : i32
        %dma_start3A_369 = arith.constant 0 : i32
        %dma_start3A_370 = arith.constant 0 : i32
        %dma_start3A_371 = tpu.memref_slice %arg6[%dma_start3A_368, %dma_start3A_369, %dma_start3A_370] : memref<4x200x64xf32, #tpu.memory_space<vmem>> -> memref<1x128x64xf32, #tpu.memory_space<vmem>>
        %dma_start3A_372 = tpu.memref_squeeze %dma_start3A_371 : memref<1x128x64xf32, #tpu.memory_space<vmem>> -> memref<128x64xf32, #tpu.memory_space<vmem>>
        %dma_start3A_373 = tpu.memref_slice %arg5[%mul3A_367] : memref<25600xi32, #tpu.memory_space<vmem>> -> memref<128xi32, #tpu.memory_space<vmem>>
        %dma_start3A_374 = arith.constant 0 : i32
        %dma_start3A_375 = arith.constant 0 : i32
        %dma_start3A_376 = tpu.memref_slice %arg3[%dma_start3A_374, %dma_start3A_375] : memref<1007616x64xf32, #tpu.memory_space<hbm>> -> memref<1007616x64xf32, #tpu.memory_space<hbm>>
        tpu.enqueue_indirect_dma source(%dma_start3A_376 : memref<1007616x64xf32, #tpu.memory_space<hbm>>) target(%dma_start3A_372 : memref<128x64xf32, #tpu.memory_space<vmem>>) offsets(%dma_start3A_373 : memref<128xi32, #tpu.memory_space<vmem>>) semaphore(%arg9 : memref<!tpu.dma_semaphore, #tpu.memory_space<semaphore_mem>>)
        %mul3A_377 = arith.constant 200 : i32
        %mul3A_378 = arith.muli %add3A_365, %mul3A_377 : i32
        %add3A_379 = arith.constant 128 : i32
        %add3A_380 = arith.addi %mul3A_378, %add3A_379 : i32
        %dma_start3A_381 = arith.constant 1 : i32
        %dma_start3A_382 = arith.constant 128 : i32
        %dma_start3A_383 = arith.constant 0 : i32
        %dma_start3A_384 = tpu.memref_slice %arg6[%dma_start3A_381, %dma_start3A_382, %dma_start3A_383] : memref<4x200x64xf32, #tpu.memory_space<vmem>> -> memref<1x72x64xf32, #tpu.memory_space<vmem>>
        %dma_start3A_385 = tpu.memref_squeeze %dma_start3A_384 : memref<1x72x64xf32, #tpu.memory_space<vmem>> -> memref<72x64xf32, #tpu.memory_space<vmem>>
        %dma_start3A_386 = tpu.memref_slice %arg5[%add3A_380] : memref<25600xi32, #tpu.memory_space<vmem>> -> memref<72xi32, #tpu.memory_space<vmem>>
        %dma_start3A_387 = arith.constant 0 : i32
        %dma_start3A_388 = arith.constant 0 : i32
        %dma_start3A_389 = tpu.memref_slice %arg3[%dma_start3A_387, %dma_start3A_388] : memref<1007616x64xf32, #tpu.memory_space<hbm>> -> memref<1007616x64xf32, #tpu.memory_space<hbm>>
        tpu.enqueue_indirect_dma source(%dma_start3A_389 : memref<1007616x64xf32, #tpu.memory_space<hbm>>) target(%dma_start3A_385 : memref<72x64xf32, #tpu.memory_space<vmem>>) offsets(%dma_start3A_386 : memref<72xi32, #tpu.memory_space<vmem>>) semaphore(%arg9 : memref<!tpu.dma_semaphore, #tpu.memory_space<semaphore_mem>>)
      } else {
      }
      %mul3A_226 = arith.constant 4 : i32
      %mul3A_227 = arith.muli %mul3A_226, %scan3A_93 : i32
      %add3A_228 = arith.constant 2 : i32
      %add3A_229 = arith.addi %mul3A_227, %add3A_228 : i32
      %mul3A_230 = arith.constant 200 : i32
      %mul3A_231 = arith.muli %add3A_229, %mul3A_230 : i32
      %dma_wait3A_232 = arith.constant 2 : i32
      %dma_wait3A_233 = arith.constant 0 : i32
      %dma_wait3A_234 = arith.constant 0 : i32
      %dma_wait3A_235 = tpu.memref_slice %arg6[%dma_wait3A_232, %dma_wait3A_233, %dma_wait3A_234] : memref<4x200x64xf32, #tpu.memory_space<vmem>> -> memref<1x128x64xf32, #tpu.memory_space<vmem>>
      %dma_wait3A_236 = tpu.memref_squeeze %dma_wait3A_235 : memref<1x128x64xf32, #tpu.memory_space<vmem>> -> memref<128x64xf32, #tpu.memory_space<vmem>>
      %dma_wait3A_237 = tpu.memref_slice %arg5[%mul3A_231] : memref<25600xi32, #tpu.memory_space<vmem>> -> memref<128xi32, #tpu.memory_space<vmem>>
      %dma_wait3A_238 = arith.constant 0 : i32
      %dma_wait3A_239 = arith.constant 0 : i32
      %dma_wait3A_240 = tpu.memref_slice %arg3[%dma_wait3A_238, %dma_wait3A_239] : memref<1007616x64xf32, #tpu.memory_space<hbm>> -> memref<1007616x64xf32, #tpu.memory_space<hbm>>
      tpu.wait_indirect_dma semaphore(%arg10 : memref<!tpu.dma_semaphore, #tpu.memory_space<semaphore_mem>>) src(%dma_wait3A_240 : memref<1007616x64xf32, #tpu.memory_space<hbm>>) dst(%dma_wait3A_236 : memref<128x64xf32, #tpu.memory_space<vmem>>)
      %mul3A_241 = arith.constant 200 : i32
      %mul3A_242 = arith.muli %add3A_229, %mul3A_241 : i32
      %add3A_243 = arith.constant 128 : i32
      %add3A_244 = arith.addi %mul3A_242, %add3A_243 : i32
      %dma_wait3A_245 = arith.constant 2 : i32
      %dma_wait3A_246 = arith.constant 128 : i32
      %dma_wait3A_247 = arith.constant 0 : i32
      %dma_wait3A_248 = tpu.memref_slice %arg6[%dma_wait3A_245, %dma_wait3A_246, %dma_wait3A_247] : memref<4x200x64xf32, #tpu.memory_space<vmem>> -> memref<1x72x64xf32, #tpu.memory_space<vmem>>
      %dma_wait3A_249 = tpu.memref_squeeze %dma_wait3A_248 : memref<1x72x64xf32, #tpu.memory_space<vmem>> -> memref<72x64xf32, #tpu.memory_space<vmem>>
      %dma_wait3A_250 = tpu.memref_slice %arg5[%add3A_244] : memref<25600xi32, #tpu.memory_space<vmem>> -> memref<72xi32, #tpu.memory_space<vmem>>
      %dma_wait3A_251 = arith.constant 0 : i32
      %dma_wait3A_252 = arith.constant 0 : i32
      %dma_wait3A_253 = tpu.memref_slice %arg3[%dma_wait3A_251, %dma_wait3A_252] : memref<1007616x64xf32, #tpu.memory_space<hbm>> -> memref<1007616x64xf32, #tpu.memory_space<hbm>>
      tpu.wait_indirect_dma semaphore(%arg10 : memref<!tpu.dma_semaphore, #tpu.memory_space<semaphore_mem>>) src(%dma_wait3A_253 : memref<1007616x64xf32, #tpu.memory_space<hbm>>) dst(%dma_wait3A_249 : memref<72x64xf32, #tpu.memory_space<vmem>>)
      %broadcast_in_dim3A_254 = arith.constant 0.000000e+00 : f32
      %broadcast_in_dim3A_255 = vector.broadcast %broadcast_in_dim3A_254 : f32 to vector<16xf32>
      %broadcast_in_dim3A_256 = arith.constant 0.000000e+00 : f32
      %broadcast_in_dim3A_257 = vector.broadcast %broadcast_in_dim3A_256 : f32 to vector<16xf32>
      %broadcast_in_dim3A_258 = arith.constant 0.000000e+00 : f32
      %broadcast_in_dim3A_259 = vector.broadcast %broadcast_in_dim3A_258 : f32 to vector<16xf32>
      %broadcast_in_dim3A_260 = arith.constant 0.000000e+00 : f32
      %broadcast_in_dim3A_261 = vector.broadcast %broadcast_in_dim3A_260 : f32 to vector<16xf32>
      %scan3A_262 = arith.constant 0 : i32
      %scan3A_263 = arith.constant 25 : i32
      %scan3A_264 = arith.addi %scan3A_262, %scan3A_263 : i32
      %scan3A_265 = arith.constant 1 : i32
      %scan3A_266:4 = scf.for %scan3A_364 = %scan3A_262 to %scan3A_264 step %scan3A_265 iter_args(%scan3A_365 = %broadcast_in_dim3A_255, %scan3A_366 = %broadcast_in_dim3A_257, %scan3A_367 = %broadcast_in_dim3A_259, %scan3A_368 = %broadcast_in_dim3A_261) -> (vector<16xf32>, vector<16xf32>, vector<16xf32>, vector<16xf32>)  : i32 {
        %mul3A_369 = arith.constant 8 : i32
        %mul3A_370 = arith.muli %scan3A_364, %mul3A_369 : i32
        %add3A_371 = arith.constant 0 : i32
        %add3A_372 = arith.addi %mul3A_370, %add3A_371 : i32
        %get3A = arith.constant 2 : i32
        %get3A_373 = arith.index_cast %get3A : i32 to index
        %get3A_374 = arith.index_cast %add3A_372 : i32 to index
        %get3A_375 = arith.constant 0 : index
        %get3A_376 = tpu.vector_load %arg6[%get3A_373, %get3A_374, %get3A_375] {strides = array<i32>} : memref<4x200x64xf32, #tpu.memory_space<vmem>>, vector<1x1x16xf32>,
        %get3A_377 = vector.shape_cast %get3A_376 : vector<1x1x16xf32> to vector<16xf32>
        %add3A_378 = arith.addf %scan3A_365, %get3A_377 : vector<16xf32>
        %get3A_379 = arith.constant 2 : i32
        %get3A_380 = arith.index_cast %get3A_379 : i32 to index
        %get3A_381 = arith.index_cast %add3A_372 : i32 to index
        %get3A_382 = arith.constant 16 : index
        %get3A_383 = tpu.vector_load %arg6[%get3A_380, %get3A_381, %get3A_382] {strides = array<i32>} : memref<4x200x64xf32, #tpu.memory_space<vmem>>, vector<1x1x16xf32>,
        %get3A_384 = vector.shape_cast %get3A_383 : vector<1x1x16xf32> to vector<16xf32>
        %add3A_385 = arith.addf %scan3A_366, %get3A_384 : vector<16xf32>
        %get3A_386 = arith.constant 2 : i32
        %get3A_387 = arith.index_cast %get3A_386 : i32 to index
        %get3A_388 = arith.index_cast %add3A_372 : i32 to index
        %get3A_389 = arith.constant 32 : index
        %get3A_390 = tpu.vector_load %arg6[%get3A_387, %get3A_388, %get3A_389] {strides = array<i32>} : memref<4x200x64xf32, #tpu.memory_space<vmem>>, vector<1x1x16xf32>,
        %get3A_391 = vector.shape_cast %get3A_390 : vector<1x1x16xf32> to vector<16xf32>
        %add3A_392 = arith.addf %scan3A_367, %get3A_391 : vector<16xf32>
        %get3A_393 = arith.constant 2 : i32
        %get3A_394 = arith.index_cast %get3A_393 : i32 to index
        %get3A_395 = arith.index_cast %add3A_372 : i32 to index
        %get3A_396 = arith.constant 48 : index
        %get3A_397 = tpu.vector_load %arg6[%get3A_394, %get3A_395, %get3A_396] {strides = array<i32>} : memref<4x200x64xf32, #tpu.memory_space<vmem>>, vector<1x1x16xf32>,
        %get3A_398 = vector.shape_cast %get3A_397 : vector<1x1x16xf32> to vector<16xf32>
        %add3A_399 = arith.addf %scan3A_368, %get3A_398 : vector<16xf32>
        %mul3A_400 = arith.constant 8 : i32
        %mul3A_401 = arith.muli %scan3A_364, %mul3A_400 : i32
        %add3A_402 = arith.constant 1 : i32
        %add3A_403 = arith.addi %mul3A_401, %add3A_402 : i32
        %get3A_404 = arith.constant 2 : i32
        %get3A_405 = arith.index_cast %get3A_404 : i32 to index
        %get3A_406 = arith.index_cast %add3A_403 : i32 to index
        %get3A_407 = arith.constant 0 : index
        %get3A_408 = tpu.vector_load %arg6[%get3A_405, %get3A_406, %get3A_407] {strides = array<i32>} : memref<4x200x64xf32, #tpu.memory_space<vmem>>, vector<1x1x16xf32>,
        %get3A_409 = vector.shape_cast %get3A_408 : vector<1x1x16xf32> to vector<16xf32>
        %add3A_410 = arith.addf %add3A_378, %get3A_409 : vector<16xf32>
        %get3A_411 = arith.constant 2 : i32
        %get3A_412 = arith.index_cast %get3A_411 : i32 to index
        %get3A_413 = arith.index_cast %add3A_403 : i32 to index
        %get3A_414 = arith.constant 16 : index
        %get3A_415 = tpu.vector_load %arg6[%get3A_412, %get3A_413, %get3A_414] {strides = array<i32>} : memref<4x200x64xf32, #tpu.memory_space<vmem>>, vector<1x1x16xf32>,
        %get3A_416 = vector.shape_cast %get3A_415 : vector<1x1x16xf32> to vector<16xf32>
        %add3A_417 = arith.addf %add3A_385, %get3A_416 : vector<16xf32>
        %get3A_418 = arith.constant 2 : i32
        %get3A_419 = arith.index_cast %get3A_418 : i32 to index
        %get3A_420 = arith.index_cast %add3A_403 : i32 to index
        %get3A_421 = arith.constant 32 : index
        %get3A_422 = tpu.vector_load %arg6[%get3A_419, %get3A_420, %get3A_421] {strides = array<i32>} : memref<4x200x64xf32, #tpu.memory_space<vmem>>, vector<1x1x16xf32>,
        %get3A_423 = vector.shape_cast %get3A_422 : vector<1x1x16xf32> to vector<16xf32>
        %add3A_424 = arith.addf %add3A_392, %get3A_423 : vector<16xf32>
        %get3A_425 = arith.constant 2 : i32
        %get3A_426 = arith.index_cast %get3A_425 : i32 to index
        %get3A_427 = arith.index_cast %add3A_403 : i32 to index
        %get3A_428 = arith.constant 48 : index
        %get3A_429 = tpu.vector_load %arg6[%get3A_426, %get3A_427, %get3A_428] {strides = array<i32>} : memref<4x200x64xf32, #tpu.memory_space<vmem>>, vector<1x1x16xf32>,
        %get3A_430 = vector.shape_cast %get3A_429 : vector<1x1x16xf32> to vector<16xf32>
        %add3A_431 = arith.addf %add3A_399, %get3A_430 : vector<16xf32>
        %mul3A_432 = arith.constant 8 : i32
        %mul3A_433 = arith.muli %scan3A_364, %mul3A_432 : i32
        %add3A_434 = arith.constant 2 : i32
        %add3A_435 = arith.addi %mul3A_433, %add3A_434 : i32
        %get3A_436 = arith.constant 2 : i32
        %get3A_437 = arith.index_cast %get3A_436 : i32 to index
        %get3A_438 = arith.index_cast %add3A_435 : i32 to index
        %get3A_439 = arith.constant 0 : index
        %get3A_440 = tpu.vector_load %arg6[%get3A_437, %get3A_438, %get3A_439] {strides = array<i32>} : memref<4x200x64xf32, #tpu.memory_space<vmem>>, vector<1x1x16xf32>,
        %get3A_441 = vector.shape_cast %get3A_440 : vector<1x1x16xf32> to vector<16xf32>
        %add3A_442 = arith.addf %add3A_410, %get3A_441 : vector<16xf32>
        %get3A_443 = arith.constant 2 : i32
        %get3A_444 = arith.index_cast %get3A_443 : i32 to index
        %get3A_445 = arith.index_cast %add3A_435 : i32 to index
        %get3A_446 = arith.constant 16 : index
        %get3A_447 = tpu.vector_load %arg6[%get3A_444, %get3A_445, %get3A_446] {strides = array<i32>} : memref<4x200x64xf32, #tpu.memory_space<vmem>>, vector<1x1x16xf32>,
        %get3A_448 = vector.shape_cast %get3A_447 : vector<1x1x16xf32> to vector<16xf32>
        %add3A_449 = arith.addf %add3A_417, %get3A_448 : vector<16xf32>
        %get3A_450 = arith.constant 2 : i32
        %get3A_451 = arith.index_cast %get3A_450 : i32 to index
        %get3A_452 = arith.index_cast %add3A_435 : i32 to index
        %get3A_453 = arith.constant 32 : index
        %get3A_454 = tpu.vector_load %arg6[%get3A_451, %get3A_452, %get3A_453] {strides = array<i32>} : memref<4x200x64xf32, #tpu.memory_space<vmem>>, vector<1x1x16xf32>,
        %get3A_455 = vector.shape_cast %get3A_454 : vector<1x1x16xf32> to vector<16xf32>
        %add3A_456 = arith.addf %add3A_424, %get3A_455 : vector<16xf32>
        %get3A_457 = arith.constant 2 : i32
        %get3A_458 = arith.index_cast %get3A_457 : i32 to index
        %get3A_459 = arith.index_cast %add3A_435 : i32 to index
        %get3A_460 = arith.constant 48 : index
        %get3A_461 = tpu.vector_load %arg6[%get3A_458, %get3A_459, %get3A_460] {strides = array<i32>} : memref<4x200x64xf32, #tpu.memory_space<vmem>>, vector<1x1x16xf32>,
        %get3A_462 = vector.shape_cast %get3A_461 : vector<1x1x16xf32> to vector<16xf32>
        %add3A_463 = arith.addf %add3A_431, %get3A_462 : vector<16xf32>
        %mul3A_464 = arith.constant 8 : i32
        %mul3A_465 = arith.muli %scan3A_364, %mul3A_464 : i32
        %add3A_466 = arith.constant 3 : i32
        %add3A_467 = arith.addi %mul3A_465, %add3A_466 : i32
        %get3A_468 = arith.constant 2 : i32
        %get3A_469 = arith.index_cast %get3A_468 : i32 to index
        %get3A_470 = arith.index_cast %add3A_467 : i32 to index
        %get3A_471 = arith.constant 0 : index
        %get3A_472 = tpu.vector_load %arg6[%get3A_469, %get3A_470, %get3A_471] {strides = array<i32>} : memref<4x200x64xf32, #tpu.memory_space<vmem>>, vector<1x1x16xf32>,
        %get3A_473 = vector.shape_cast %get3A_472 : vector<1x1x16xf32> to vector<16xf32>
        %add3A_474 = arith.addf %add3A_442, %get3A_473 : vector<16xf32>
        %get3A_475 = arith.constant 2 : i32
        %get3A_476 = arith.index_cast %get3A_475 : i32 to index
        %get3A_477 = arith.index_cast %add3A_467 : i32 to index
        %get3A_478 = arith.constant 16 : index
        %get3A_479 = tpu.vector_load %arg6[%get3A_476, %get3A_477, %get3A_478] {strides = array<i32>} : memref<4x200x64xf32, #tpu.memory_space<vmem>>, vector<1x1x16xf32>,
        %get3A_480 = vector.shape_cast %get3A_479 : vector<1x1x16xf32> to vector<16xf32>
        %add3A_481 = arith.addf %add3A_449, %get3A_480 : vector<16xf32>
        %get3A_482 = arith.constant 2 : i32
        %get3A_483 = arith.index_cast %get3A_482 : i32 to index
        %get3A_484 = arith.index_cast %add3A_467 : i32 to index
        %get3A_485 = arith.constant 32 : index
        %get3A_486 = tpu.vector_load %arg6[%get3A_483, %get3A_484, %get3A_485] {strides = array<i32>} : memref<4x200x64xf32, #tpu.memory_space<vmem>>, vector<1x1x16xf32>,
        %get3A_487 = vector.shape_cast %get3A_486 : vector<1x1x16xf32> to vector<16xf32>
        %add3A_488 = arith.addf %add3A_456, %get3A_487 : vector<16xf32>
        %get3A_489 = arith.constant 2 : i32
        %get3A_490 = arith.index_cast %get3A_489 : i32 to index
        %get3A_491 = arith.index_cast %add3A_467 : i32 to index
        %get3A_492 = arith.constant 48 : index
        %get3A_493 = tpu.vector_load %arg6[%get3A_490, %get3A_491, %get3A_492] {strides = array<i32>} : memref<4x200x64xf32, #tpu.memory_space<vmem>>, vector<1x1x16xf32>,
        %get3A_494 = vector.shape_cast %get3A_493 : vector<1x1x16xf32> to vector<16xf32>
        %add3A_495 = arith.addf %add3A_463, %get3A_494 : vector<16xf32>
        %mul3A_496 = arith.constant 8 : i32
        %mul3A_497 = arith.muli %scan3A_364, %mul3A_496 : i32
        %add3A_498 = arith.constant 4 : i32
        %add3A_499 = arith.addi %mul3A_497, %add3A_498 : i32
        %get3A_500 = arith.constant 2 : i32
        %get3A_501 = arith.index_cast %get3A_500 : i32 to index
        %get3A_502 = arith.index_cast %add3A_499 : i32 to index
        %get3A_503 = arith.constant 0 : index
        %get3A_504 = tpu.vector_load %arg6[%get3A_501, %get3A_502, %get3A_503] {strides = array<i32>} : memref<4x200x64xf32, #tpu.memory_space<vmem>>, vector<1x1x16xf32>,
        %get3A_505 = vector.shape_cast %get3A_504 : vector<1x1x16xf32> to vector<16xf32>
        %add3A_506 = arith.addf %add3A_474, %get3A_505 : vector<16xf32>
        %get3A_507 = arith.constant 2 : i32
        %get3A_508 = arith.index_cast %get3A_507 : i32 to index
        %get3A_509 = arith.index_cast %add3A_499 : i32 to index
        %get3A_510 = arith.constant 16 : index
        %get3A_511 = tpu.vector_load %arg6[%get3A_508, %get3A_509, %get3A_510] {strides = array<i32>} : memref<4x200x64xf32, #tpu.memory_space<vmem>>, vector<1x1x16xf32>,
        %get3A_512 = vector.shape_cast %get3A_511 : vector<1x1x16xf32> to vector<16xf32>
        %add3A_513 = arith.addf %add3A_481, %get3A_512 : vector<16xf32>
        %get3A_514 = arith.constant 2 : i32
        %get3A_515 = arith.index_cast %get3A_514 : i32 to index
        %get3A_516 = arith.index_cast %add3A_499 : i32 to index
        %get3A_517 = arith.constant 32 : index
        %get3A_518 = tpu.vector_load %arg6[%get3A_515, %get3A_516, %get3A_517] {strides = array<i32>} : memref<4x200x64xf32, #tpu.memory_space<vmem>>, vector<1x1x16xf32>,
        %get3A_519 = vector.shape_cast %get3A_518 : vector<1x1x16xf32> to vector<16xf32>
        %add3A_520 = arith.addf %add3A_488, %get3A_519 : vector<16xf32>
        %get3A_521 = arith.constant 2 : i32
        %get3A_522 = arith.index_cast %get3A_521 : i32 to index
        %get3A_523 = arith.index_cast %add3A_499 : i32 to index
        %get3A_524 = arith.constant 48 : index
        %get3A_525 = tpu.vector_load %arg6[%get3A_522, %get3A_523, %get3A_524] {strides = array<i32>} : memref<4x200x64xf32, #tpu.memory_space<vmem>>, vector<1x1x16xf32>,
        %get3A_526 = vector.shape_cast %get3A_525 : vector<1x1x16xf32> to vector<16xf32>
        %add3A_527 = arith.addf %add3A_495, %get3A_526 : vector<16xf32>
        %mul3A_528 = arith.constant 8 : i32
        %mul3A_529 = arith.muli %scan3A_364, %mul3A_528 : i32
        %add3A_530 = arith.constant 5 : i32
        %add3A_531 = arith.addi %mul3A_529, %add3A_530 : i32
        %get3A_532 = arith.constant 2 : i32
        %get3A_533 = arith.index_cast %get3A_532 : i32 to index
        %get3A_534 = arith.index_cast %add3A_531 : i32 to index
        %get3A_535 = arith.constant 0 : index
        %get3A_536 = tpu.vector_load %arg6[%get3A_533, %get3A_534, %get3A_535] {strides = array<i32>} : memref<4x200x64xf32, #tpu.memory_space<vmem>>, vector<1x1x16xf32>,
        %get3A_537 = vector.shape_cast %get3A_536 : vector<1x1x16xf32> to vector<16xf32>
        %add3A_538 = arith.addf %add3A_506, %get3A_537 : vector<16xf32>
        %get3A_539 = arith.constant 2 : i32
        %get3A_540 = arith.index_cast %get3A_539 : i32 to index
        %get3A_541 = arith.index_cast %add3A_531 : i32 to index
        %get3A_542 = arith.constant 16 : index
        %get3A_543 = tpu.vector_load %arg6[%get3A_540, %get3A_541, %get3A_542] {strides = array<i32>} : memref<4x200x64xf32, #tpu.memory_space<vmem>>, vector<1x1x16xf32>,
        %get3A_544 = vector.shape_cast %get3A_543 : vector<1x1x16xf32> to vector<16xf32>
        %add3A_545 = arith.addf %add3A_513, %get3A_544 : vector<16xf32>
        %get3A_546 = arith.constant 2 : i32
        %get3A_547 = arith.index_cast %get3A_546 : i32 to index
        %get3A_548 = arith.index_cast %add3A_531 : i32 to index
        %get3A_549 = arith.constant 32 : index
        %get3A_550 = tpu.vector_load %arg6[%get3A_547, %get3A_548, %get3A_549] {strides = array<i32>} : memref<4x200x64xf32, #tpu.memory_space<vmem>>, vector<1x1x16xf32>,
        %get3A_551 = vector.shape_cast %get3A_550 : vector<1x1x16xf32> to vector<16xf32>
        %add3A_552 = arith.addf %add3A_520, %get3A_551 : vector<16xf32>
        %get3A_553 = arith.constant 2 : i32
        %get3A_554 = arith.index_cast %get3A_553 : i32 to index
        %get3A_555 = arith.index_cast %add3A_531 : i32 to index
        %get3A_556 = arith.constant 48 : index
        %get3A_557 = tpu.vector_load %arg6[%get3A_554, %get3A_555, %get3A_556] {strides = array<i32>} : memref<4x200x64xf32, #tpu.memory_space<vmem>>, vector<1x1x16xf32>,
        %get3A_558 = vector.shape_cast %get3A_557 : vector<1x1x16xf32> to vector<16xf32>
        %add3A_559 = arith.addf %add3A_527, %get3A_558 : vector<16xf32>
        %mul3A_560 = arith.constant 8 : i32
        %mul3A_561 = arith.muli %scan3A_364, %mul3A_560 : i32
        %add3A_562 = arith.constant 6 : i32
        %add3A_563 = arith.addi %mul3A_561, %add3A_562 : i32
        %get3A_564 = arith.constant 2 : i32
        %get3A_565 = arith.index_cast %get3A_564 : i32 to index
        %get3A_566 = arith.index_cast %add3A_563 : i32 to index
        %get3A_567 = arith.constant 0 : index
        %get3A_568 = tpu.vector_load %arg6[%get3A_565, %get3A_566, %get3A_567] {strides = array<i32>} : memref<4x200x64xf32, #tpu.memory_space<vmem>>, vector<1x1x16xf32>,
        %get3A_569 = vector.shape_cast %get3A_568 : vector<1x1x16xf32> to vector<16xf32>
        %add3A_570 = arith.addf %add3A_538, %get3A_569 : vector<16xf32>
        %get3A_571 = arith.constant 2 : i32
        %get3A_572 = arith.index_cast %get3A_571 : i32 to index
        %get3A_573 = arith.index_cast %add3A_563 : i32 to index
        %get3A_574 = arith.constant 16 : index
        %get3A_575 = tpu.vector_load %arg6[%get3A_572, %get3A_573, %get3A_574] {strides = array<i32>} : memref<4x200x64xf32, #tpu.memory_space<vmem>>, vector<1x1x16xf32>,
        %get3A_576 = vector.shape_cast %get3A_575 : vector<1x1x16xf32> to vector<16xf32>
        %add3A_577 = arith.addf %add3A_545, %get3A_576 : vector<16xf32>
        %get3A_578 = arith.constant 2 : i32
        %get3A_579 = arith.index_cast %get3A_578 : i32 to index
        %get3A_580 = arith.index_cast %add3A_563 : i32 to index
        %get3A_581 = arith.constant 32 : index
        %get3A_582 = tpu.vector_load %arg6[%get3A_579, %get3A_580, %get3A_581] {strides = array<i32>} : memref<4x200x64xf32, #tpu.memory_space<vmem>>, vector<1x1x16xf32>,
        %get3A_583 = vector.shape_cast %get3A_582 : vector<1x1x16xf32> to vector<16xf32>
        %add3A_584 = arith.addf %add3A_552, %get3A_583 : vector<16xf32>
        %get3A_585 = arith.constant 2 : i32
        %get3A_586 = arith.index_cast %get3A_585 : i32 to index
        %get3A_587 = arith.index_cast %add3A_563 : i32 to index
        %get3A_588 = arith.constant 48 : index
        %get3A_589 = tpu.vector_load %arg6[%get3A_586, %get3A_587, %get3A_588] {strides = array<i32>} : memref<4x200x64xf32, #tpu.memory_space<vmem>>, vector<1x1x16xf32>,
        %get3A_590 = vector.shape_cast %get3A_589 : vector<1x1x16xf32> to vector<16xf32>
        %add3A_591 = arith.addf %add3A_559, %get3A_590 : vector<16xf32>
        %mul3A_592 = arith.constant 8 : i32
        %mul3A_593 = arith.muli %scan3A_364, %mul3A_592 : i32
        %add3A_594 = arith.constant 7 : i32
        %add3A_595 = arith.addi %mul3A_593, %add3A_594 : i32
        %get3A_596 = arith.constant 2 : i32
        %get3A_597 = arith.index_cast %get3A_596 : i32 to index
        %get3A_598 = arith.index_cast %add3A_595 : i32 to index
        %get3A_599 = arith.constant 0 : index
        %get3A_600 = tpu.vector_load %arg6[%get3A_597, %get3A_598, %get3A_599] {strides = array<i32>} : memref<4x200x64xf32, #tpu.memory_space<vmem>>, vector<1x1x16xf32>,
        %get3A_601 = vector.shape_cast %get3A_600 : vector<1x1x16xf32> to vector<16xf32>
        %add3A_602 = arith.addf %add3A_570, %get3A_601 : vector<16xf32>
        %get3A_603 = arith.constant 2 : i32
        %get3A_604 = arith.index_cast %get3A_603 : i32 to index
        %get3A_605 = arith.index_cast %add3A_595 : i32 to index
        %get3A_606 = arith.constant 16 : index
        %get3A_607 = tpu.vector_load %arg6[%get3A_604, %get3A_605, %get3A_606] {strides = array<i32>} : memref<4x200x64xf32, #tpu.memory_space<vmem>>, vector<1x1x16xf32>,
        %get3A_608 = vector.shape_cast %get3A_607 : vector<1x1x16xf32> to vector<16xf32>
        %add3A_609 = arith.addf %add3A_577, %get3A_608 : vector<16xf32>
        %get3A_610 = arith.constant 2 : i32
        %get3A_611 = arith.index_cast %get3A_610 : i32 to index
        %get3A_612 = arith.index_cast %add3A_595 : i32 to index
        %get3A_613 = arith.constant 32 : index
        %get3A_614 = tpu.vector_load %arg6[%get3A_611, %get3A_612, %get3A_613] {strides = array<i32>} : memref<4x200x64xf32, #tpu.memory_space<vmem>>, vector<1x1x16xf32>,
        %get3A_615 = vector.shape_cast %get3A_614 : vector<1x1x16xf32> to vector<16xf32>
        %add3A_616 = arith.addf %add3A_584, %get3A_615 : vector<16xf32>
        %get3A_617 = arith.constant 2 : i32
        %get3A_618 = arith.index_cast %get3A_617 : i32 to index
        %get3A_619 = arith.index_cast %add3A_595 : i32 to index
        %get3A_620 = arith.constant 48 : index
        %get3A_621 = tpu.vector_load %arg6[%get3A_618, %get3A_619, %get3A_620] {strides = array<i32>} : memref<4x200x64xf32, #tpu.memory_space<vmem>>, vector<1x1x16xf32>,
        %get3A_622 = vector.shape_cast %get3A_621 : vector<1x1x16xf32> to vector<16xf32>
        %add3A_623 = arith.addf %add3A_591, %get3A_622 : vector<16xf32>
        scf.yield %add3A_602, %add3A_609, %add3A_616, %add3A_623 : vector<16xf32>, vector<16xf32>, vector<16xf32>, vector<16xf32>
      }
      %scan3A_267 = arith.constant 25 : i32
      %swap3A_268 = arith.index_cast %add3A_229 : i32 to index
      %swap3A_269 = arith.constant 0 : index
      %swap3A_270 = tpu.vector_load %arg7[%swap3A_268, %swap3A_269] {strides = array<i32>} : memref<128x64xf32, #tpu.memory_space<vmem>>, vector<1x16xf32>,
      %swap3A_271 = vector.shape_cast %swap3A_270 : vector<1x16xf32> to vector<16xf32>
      %swap3A_272 = vector.shape_cast %scan3A_266#0 : vector<16xf32> to vector<1x16xf32>
      tpu.vector_store %arg7[%swap3A_268, %swap3A_269], %swap3A_272 {strides = array<i32>} : memref<128x64xf32, #tpu.memory_space<vmem>>, vector<1x16xf32>,
      %swap3A_273 = arith.index_cast %add3A_229 : i32 to index
      %swap3A_274 = arith.constant 16 : index
      %swap3A_275 = tpu.vector_load %arg7[%swap3A_273, %swap3A_274] {strides = array<i32>} : memref<128x64xf32, #tpu.memory_space<vmem>>, vector<1x16xf32>,
      %swap3A_276 = vector.shape_cast %swap3A_275 : vector<1x16xf32> to vector<16xf32>
      %swap3A_277 = vector.shape_cast %scan3A_266#1 : vector<16xf32> to vector<1x16xf32>
      tpu.vector_store %arg7[%swap3A_273, %swap3A_274], %swap3A_277 {strides = array<i32>} : memref<128x64xf32, #tpu.memory_space<vmem>>, vector<1x16xf32>,
      %swap3A_278 = arith.index_cast %add3A_229 : i32 to index
      %swap3A_279 = arith.constant 32 : index
      %swap3A_280 = tpu.vector_load %arg7[%swap3A_278, %swap3A_279] {strides = array<i32>} : memref<128x64xf32, #tpu.memory_space<vmem>>, vector<1x16xf32>,
      %swap3A_281 = vector.shape_cast %swap3A_280 : vector<1x16xf32> to vector<16xf32>
      %swap3A_282 = vector.shape_cast %scan3A_266#2 : vector<16xf32> to vector<1x16xf32>
      tpu.vector_store %arg7[%swap3A_278, %swap3A_279], %swap3A_282 {strides = array<i32>} : memref<128x64xf32, #tpu.memory_space<vmem>>, vector<1x16xf32>,
      %swap3A_283 = arith.index_cast %add3A_229 : i32 to index
      %swap3A_284 = arith.constant 48 : index
      %swap3A_285 = tpu.vector_load %arg7[%swap3A_283, %swap3A_284] {strides = array<i32>} : memref<128x64xf32, #tpu.memory_space<vmem>>, vector<1x16xf32>,
      %swap3A_286 = vector.shape_cast %swap3A_285 : vector<1x16xf32> to vector<16xf32>
      %swap3A_287 = vector.shape_cast %scan3A_266#3 : vector<16xf32> to vector<1x16xf32>
      tpu.vector_store %arg7[%swap3A_283, %swap3A_284], %swap3A_287 {strides = array<i32>} : memref<128x64xf32, #tpu.memory_space<vmem>>, vector<1x16xf32>,
      %add3A_288 = arith.constant 4 : i32
      %add3A_289 = arith.addi %add3A_229, %add3A_288 : i32
      %lt3A_290 = arith.constant 128 : i32
      %lt3A_291 = arith.cmpi slt, %add3A_289, %lt3A_290 : i32
      %convert_element_type3A_292 = arith.extui %lt3A_291 : i1 to i32
      %cond3A_293 = arith.constant 0 : i32
      %cond3A_294 = arith.cmpi ne, %convert_element_type3A_292, %cond3A_293 : i32
      scf.if %cond3A_294 {
        %add3A_364 = arith.constant 4 : i32
        %add3A_365 = arith.addi %add3A_229, %add3A_364 : i32
        %mul3A_366 = arith.constant 200 : i32
        %mul3A_367 = arith.muli %add3A_365, %mul3A_366 : i32
        %dma_start3A_368 = arith.constant 2 : i32
        %dma_start3A_369 = arith.constant 0 : i32
        %dma_start3A_370 = arith.constant 0 : i32
        %dma_start3A_371 = tpu.memref_slice %arg6[%dma_start3A_368, %dma_start3A_369, %dma_start3A_370] : memref<4x200x64xf32, #tpu.memory_space<vmem>> -> memref<1x128x64xf32, #tpu.memory_space<vmem>>
        %dma_start3A_372 = tpu.memref_squeeze %dma_start3A_371 : memref<1x128x64xf32, #tpu.memory_space<vmem>> -> memref<128x64xf32, #tpu.memory_space<vmem>>
        %dma_start3A_373 = tpu.memref_slice %arg5[%mul3A_367] : memref<25600xi32, #tpu.memory_space<vmem>> -> memref<128xi32, #tpu.memory_space<vmem>>
        %dma_start3A_374 = arith.constant 0 : i32
        %dma_start3A_375 = arith.constant 0 : i32
        %dma_start3A_376 = tpu.memref_slice %arg3[%dma_start3A_374, %dma_start3A_375] : memref<1007616x64xf32, #tpu.memory_space<hbm>> -> memref<1007616x64xf32, #tpu.memory_space<hbm>>
        tpu.enqueue_indirect_dma source(%dma_start3A_376 : memref<1007616x64xf32, #tpu.memory_space<hbm>>) target(%dma_start3A_372 : memref<128x64xf32, #tpu.memory_space<vmem>>) offsets(%dma_start3A_373 : memref<128xi32, #tpu.memory_space<vmem>>) semaphore(%arg10 : memref<!tpu.dma_semaphore, #tpu.memory_space<semaphore_mem>>)
        %mul3A_377 = arith.constant 200 : i32
        %mul3A_378 = arith.muli %add3A_365, %mul3A_377 : i32
        %add3A_379 = arith.constant 128 : i32
        %add3A_380 = arith.addi %mul3A_378, %add3A_379 : i32
        %dma_start3A_381 = arith.constant 2 : i32
        %dma_start3A_382 = arith.constant 128 : i32
        %dma_start3A_383 = arith.constant 0 : i32
        %dma_start3A_384 = tpu.memref_slice %arg6[%dma_start3A_381, %dma_start3A_382, %dma_start3A_383] : memref<4x200x64xf32, #tpu.memory_space<vmem>> -> memref<1x72x64xf32, #tpu.memory_space<vmem>>
        %dma_start3A_385 = tpu.memref_squeeze %dma_start3A_384 : memref<1x72x64xf32, #tpu.memory_space<vmem>> -> memref<72x64xf32, #tpu.memory_space<vmem>>
        %dma_start3A_386 = tpu.memref_slice %arg5[%add3A_380] : memref<25600xi32, #tpu.memory_space<vmem>> -> memref<72xi32, #tpu.memory_space<vmem>>
        %dma_start3A_387 = arith.constant 0 : i32
        %dma_start3A_388 = arith.constant 0 : i32
        %dma_start3A_389 = tpu.memref_slice %arg3[%dma_start3A_387, %dma_start3A_388] : memref<1007616x64xf32, #tpu.memory_space<hbm>> -> memref<1007616x64xf32, #tpu.memory_space<hbm>>
        tpu.enqueue_indirect_dma source(%dma_start3A_389 : memref<1007616x64xf32, #tpu.memory_space<hbm>>) target(%dma_start3A_385 : memref<72x64xf32, #tpu.memory_space<vmem>>) offsets(%dma_start3A_386 : memref<72xi32, #tpu.memory_space<vmem>>) semaphore(%arg10 : memref<!tpu.dma_semaphore, #tpu.memory_space<semaphore_mem>>)
      } else {
      }
      %mul3A_295 = arith.constant 4 : i32
      %mul3A_296 = arith.muli %mul3A_295, %scan3A_93 : i32
      %add3A_297 = arith.constant 3 : i32
      %add3A_298 = arith.addi %mul3A_296, %add3A_297 : i32
      %mul3A_299 = arith.constant 200 : i32
      %mul3A_300 = arith.muli %add3A_298, %mul3A_299 : i32
      %dma_wait3A_301 = arith.constant 3 : i32
      %dma_wait3A_302 = arith.constant 0 : i32
      %dma_wait3A_303 = arith.constant 0 : i32
      %dma_wait3A_304 = tpu.memref_slice %arg6[%dma_wait3A_301, %dma_wait3A_302, %dma_wait3A_303] : memref<4x200x64xf32, #tpu.memory_space<vmem>> -> memref<1x128x64xf32, #tpu.memory_space<vmem>>
      %dma_wait3A_305 = tpu.memref_squeeze %dma_wait3A_304 : memref<1x128x64xf32, #tpu.memory_space<vmem>> -> memref<128x64xf32, #tpu.memory_space<vmem>>
      %dma_wait3A_306 = tpu.memref_slice %arg5[%mul3A_300] : memref<25600xi32, #tpu.memory_space<vmem>> -> memref<128xi32, #tpu.memory_space<vmem>>
      %dma_wait3A_307 = arith.constant 0 : i32
      %dma_wait3A_308 = arith.constant 0 : i32
      %dma_wait3A_309 = tpu.memref_slice %arg3[%dma_wait3A_307, %dma_wait3A_308] : memref<1007616x64xf32, #tpu.memory_space<hbm>> -> memref<1007616x64xf32, #tpu.memory_space<hbm>>
      tpu.wait_indirect_dma semaphore(%arg11 : memref<!tpu.dma_semaphore, #tpu.memory_space<semaphore_mem>>) src(%dma_wait3A_309 : memref<1007616x64xf32, #tpu.memory_space<hbm>>) dst(%dma_wait3A_305 : memref<128x64xf32, #tpu.memory_space<vmem>>)
      %mul3A_310 = arith.constant 200 : i32
      %mul3A_311 = arith.muli %add3A_298, %mul3A_310 : i32
      %add3A_312 = arith.constant 128 : i32
      %add3A_313 = arith.addi %mul3A_311, %add3A_312 : i32
      %dma_wait3A_314 = arith.constant 3 : i32
      %dma_wait3A_315 = arith.constant 128 : i32
      %dma_wait3A_316 = arith.constant 0 : i32
      %dma_wait3A_317 = tpu.memref_slice %arg6[%dma_wait3A_314, %dma_wait3A_315, %dma_wait3A_316] : memref<4x200x64xf32, #tpu.memory_space<vmem>> -> memref<1x72x64xf32, #tpu.memory_space<vmem>>
      %dma_wait3A_318 = tpu.memref_squeeze %dma_wait3A_317 : memref<1x72x64xf32, #tpu.memory_space<vmem>> -> memref<72x64xf32, #tpu.memory_space<vmem>>
      %dma_wait3A_319 = tpu.memref_slice %arg5[%add3A_313] : memref<25600xi32, #tpu.memory_space<vmem>> -> memref<72xi32, #tpu.memory_space<vmem>>
      %dma_wait3A_320 = arith.constant 0 : i32
      %dma_wait3A_321 = arith.constant 0 : i32
      %dma_wait3A_322 = tpu.memref_slice %arg3[%dma_wait3A_320, %dma_wait3A_321] : memref<1007616x64xf32, #tpu.memory_space<hbm>> -> memref<1007616x64xf32, #tpu.memory_space<hbm>>
      tpu.wait_indirect_dma semaphore(%arg11 : memref<!tpu.dma_semaphore, #tpu.memory_space<semaphore_mem>>) src(%dma_wait3A_322 : memref<1007616x64xf32, #tpu.memory_space<hbm>>) dst(%dma_wait3A_318 : memref<72x64xf32, #tpu.memory_space<vmem>>)
      %broadcast_in_dim3A_323 = arith.constant 0.000000e+00 : f32
      %broadcast_in_dim3A_324 = vector.broadcast %broadcast_in_dim3A_323 : f32 to vector<16xf32>
      %broadcast_in_dim3A_325 = arith.constant 0.000000e+00 : f32
      %broadcast_in_dim3A_326 = vector.broadcast %broadcast_in_dim3A_325 : f32 to vector<16xf32>
      %broadcast_in_dim3A_327 = arith.constant 0.000000e+00 : f32
      %broadcast_in_dim3A_328 = vector.broadcast %broadcast_in_dim3A_327 : f32 to vector<16xf32>
      %broadcast_in_dim3A_329 = arith.constant 0.000000e+00 : f32
      %broadcast_in_dim3A_330 = vector.broadcast %broadcast_in_dim3A_329 : f32 to vector<16xf32>
      %scan3A_331 = arith.constant 0 : i32
      %scan3A_332 = arith.constant 25 : i32
      %scan3A_333 = arith.addi %scan3A_331, %scan3A_332 : i32
      %scan3A_334 = arith.constant 1 : i32
      %scan3A_335:4 = scf.for %scan3A_364 = %scan3A_331 to %scan3A_333 step %scan3A_334 iter_args(%scan3A_365 = %broadcast_in_dim3A_324, %scan3A_366 = %broadcast_in_dim3A_326, %scan3A_367 = %broadcast_in_dim3A_328, %scan3A_368 = %broadcast_in_dim3A_330) -> (vector<16xf32>, vector<16xf32>, vector<16xf32>, vector<16xf32>)  : i32 {
        %mul3A_369 = arith.constant 8 : i32
        %mul3A_370 = arith.muli %scan3A_364, %mul3A_369 : i32
        %add3A_371 = arith.constant 0 : i32
        %add3A_372 = arith.addi %mul3A_370, %add3A_371 : i32
        %get3A = arith.constant 3 : i32
        %get3A_373 = arith.index_cast %get3A : i32 to index
        %get3A_374 = arith.index_cast %add3A_372 : i32 to index
        %get3A_375 = arith.constant 0 : index
        %get3A_376 = tpu.vector_load %arg6[%get3A_373, %get3A_374, %get3A_375] {strides = array<i32>} : memref<4x200x64xf32, #tpu.memory_space<vmem>>, vector<1x1x16xf32>,
        %get3A_377 = vector.shape_cast %get3A_376 : vector<1x1x16xf32> to vector<16xf32>
        %add3A_378 = arith.addf %scan3A_365, %get3A_377 : vector<16xf32>
        %get3A_379 = arith.constant 3 : i32
        %get3A_380 = arith.index_cast %get3A_379 : i32 to index
        %get3A_381 = arith.index_cast %add3A_372 : i32 to index
        %get3A_382 = arith.constant 16 : index
        %get3A_383 = tpu.vector_load %arg6[%get3A_380, %get3A_381, %get3A_382] {strides = array<i32>} : memref<4x200x64xf32, #tpu.memory_space<vmem>>, vector<1x1x16xf32>,
        %get3A_384 = vector.shape_cast %get3A_383 : vector<1x1x16xf32> to vector<16xf32>
        %add3A_385 = arith.addf %scan3A_366, %get3A_384 : vector<16xf32>
        %get3A_386 = arith.constant 3 : i32
        %get3A_387 = arith.index_cast %get3A_386 : i32 to index
        %get3A_388 = arith.index_cast %add3A_372 : i32 to index
        %get3A_389 = arith.constant 32 : index
        %get3A_390 = tpu.vector_load %arg6[%get3A_387, %get3A_388, %get3A_389] {strides = array<i32>} : memref<4x200x64xf32, #tpu.memory_space<vmem>>, vector<1x1x16xf32>,
        %get3A_391 = vector.shape_cast %get3A_390 : vector<1x1x16xf32> to vector<16xf32>
        %add3A_392 = arith.addf %scan3A_367, %get3A_391 : vector<16xf32>
        %get3A_393 = arith.constant 3 : i32
        %get3A_394 = arith.index_cast %get3A_393 : i32 to index
        %get3A_395 = arith.index_cast %add3A_372 : i32 to index
        %get3A_396 = arith.constant 48 : index
        %get3A_397 = tpu.vector_load %arg6[%get3A_394, %get3A_395, %get3A_396] {strides = array<i32>} : memref<4x200x64xf32, #tpu.memory_space<vmem>>, vector<1x1x16xf32>,
        %get3A_398 = vector.shape_cast %get3A_397 : vector<1x1x16xf32> to vector<16xf32>
        %add3A_399 = arith.addf %scan3A_368, %get3A_398 : vector<16xf32>
        %mul3A_400 = arith.constant 8 : i32
        %mul3A_401 = arith.muli %scan3A_364, %mul3A_400 : i32
        %add3A_402 = arith.constant 1 : i32
        %add3A_403 = arith.addi %mul3A_401, %add3A_402 : i32
        %get3A_404 = arith.constant 3 : i32
        %get3A_405 = arith.index_cast %get3A_404 : i32 to index
        %get3A_406 = arith.index_cast %add3A_403 : i32 to index
        %get3A_407 = arith.constant 0 : index
        %get3A_408 = tpu.vector_load %arg6[%get3A_405, %get3A_406, %get3A_407] {strides = array<i32>} : memref<4x200x64xf32, #tpu.memory_space<vmem>>, vector<1x1x16xf32>,
        %get3A_409 = vector.shape_cast %get3A_408 : vector<1x1x16xf32> to vector<16xf32>
        %add3A_410 = arith.addf %add3A_378, %get3A_409 : vector<16xf32>
        %get3A_411 = arith.constant 3 : i32
        %get3A_412 = arith.index_cast %get3A_411 : i32 to index
        %get3A_413 = arith.index_cast %add3A_403 : i32 to index
        %get3A_414 = arith.constant 16 : index
        %get3A_415 = tpu.vector_load %arg6[%get3A_412, %get3A_413, %get3A_414] {strides = array<i32>} : memref<4x200x64xf32, #tpu.memory_space<vmem>>, vector<1x1x16xf32>,
        %get3A_416 = vector.shape_cast %get3A_415 : vector<1x1x16xf32> to vector<16xf32>
        %add3A_417 = arith.addf %add3A_385, %get3A_416 : vector<16xf32>
        %get3A_418 = arith.constant 3 : i32
        %get3A_419 = arith.index_cast %get3A_418 : i32 to index
        %get3A_420 = arith.index_cast %add3A_403 : i32 to index
        %get3A_421 = arith.constant 32 : index
        %get3A_422 = tpu.vector_load %arg6[%get3A_419, %get3A_420, %get3A_421] {strides = array<i32>} : memref<4x200x64xf32, #tpu.memory_space<vmem>>, vector<1x1x16xf32>,
        %get3A_423 = vector.shape_cast %get3A_422 : vector<1x1x16xf32> to vector<16xf32>
        %add3A_424 = arith.addf %add3A_392, %get3A_423 : vector<16xf32>
        %get3A_425 = arith.constant 3 : i32
        %get3A_426 = arith.index_cast %get3A_425 : i32 to index
        %get3A_427 = arith.index_cast %add3A_403 : i32 to index
        %get3A_428 = arith.constant 48 : index
        %get3A_429 = tpu.vector_load %arg6[%get3A_426, %get3A_427, %get3A_428] {strides = array<i32>} : memref<4x200x64xf32, #tpu.memory_space<vmem>>, vector<1x1x16xf32>,
        %get3A_430 = vector.shape_cast %get3A_429 : vector<1x1x16xf32> to vector<16xf32>
        %add3A_431 = arith.addf %add3A_399, %get3A_430 : vector<16xf32>
        %mul3A_432 = arith.constant 8 : i32
        %mul3A_433 = arith.muli %scan3A_364, %mul3A_432 : i32
        %add3A_434 = arith.constant 2 : i32
        %add3A_435 = arith.addi %mul3A_433, %add3A_434 : i32
        %get3A_436 = arith.constant 3 : i32
        %get3A_437 = arith.index_cast %get3A_436 : i32 to index
        %get3A_438 = arith.index_cast %add3A_435 : i32 to index
        %get3A_439 = arith.constant 0 : index
        %get3A_440 = tpu.vector_load %arg6[%get3A_437, %get3A_438, %get3A_439] {strides = array<i32>} : memref<4x200x64xf32, #tpu.memory_space<vmem>>, vector<1x1x16xf32>,
        %get3A_441 = vector.shape_cast %get3A_440 : vector<1x1x16xf32> to vector<16xf32>
        %add3A_442 = arith.addf %add3A_410, %get3A_441 : vector<16xf32>
        %get3A_443 = arith.constant 3 : i32
        %get3A_444 = arith.index_cast %get3A_443 : i32 to index
        %get3A_445 = arith.index_cast %add3A_435 : i32 to index
        %get3A_446 = arith.constant 16 : index
        %get3A_447 = tpu.vector_load %arg6[%get3A_444, %get3A_445, %get3A_446] {strides = array<i32>} : memref<4x200x64xf32, #tpu.memory_space<vmem>>, vector<1x1x16xf32>,
        %get3A_448 = vector.shape_cast %get3A_447 : vector<1x1x16xf32> to vector<16xf32>
        %add3A_449 = arith.addf %add3A_417, %get3A_448 : vector<16xf32>
        %get3A_450 = arith.constant 3 : i32
        %get3A_451 = arith.index_cast %get3A_450 : i32 to index
        %get3A_452 = arith.index_cast %add3A_435 : i32 to index
        %get3A_453 = arith.constant 32 : index
        %get3A_454 = tpu.vector_load %arg6[%get3A_451, %get3A_452, %get3A_453] {strides = array<i32>} : memref<4x200x64xf32, #tpu.memory_space<vmem>>, vector<1x1x16xf32>,
        %get3A_455 = vector.shape_cast %get3A_454 : vector<1x1x16xf32> to vector<16xf32>
        %add3A_456 = arith.addf %add3A_424, %get3A_455 : vector<16xf32>
        %get3A_457 = arith.constant 3 : i32
        %get3A_458 = arith.index_cast %get3A_457 : i32 to index
        %get3A_459 = arith.index_cast %add3A_435 : i32 to index
        %get3A_460 = arith.constant 48 : index
        %get3A_461 = tpu.vector_load %arg6[%get3A_458, %get3A_459, %get3A_460] {strides = array<i32>} : memref<4x200x64xf32, #tpu.memory_space<vmem>>, vector<1x1x16xf32>,
        %get3A_462 = vector.shape_cast %get3A_461 : vector<1x1x16xf32> to vector<16xf32>
        %add3A_463 = arith.addf %add3A_431, %get3A_462 : vector<16xf32>
        %mul3A_464 = arith.constant 8 : i32
        %mul3A_465 = arith.muli %scan3A_364, %mul3A_464 : i32
        %add3A_466 = arith.constant 3 : i32
        %add3A_467 = arith.addi %mul3A_465, %add3A_466 : i32
        %get3A_468 = arith.constant 3 : i32
        %get3A_469 = arith.index_cast %get3A_468 : i32 to index
        %get3A_470 = arith.index_cast %add3A_467 : i32 to index
        %get3A_471 = arith.constant 0 : index
        %get3A_472 = tpu.vector_load %arg6[%get3A_469, %get3A_470, %get3A_471] {strides = array<i32>} : memref<4x200x64xf32, #tpu.memory_space<vmem>>, vector<1x1x16xf32>,
        %get3A_473 = vector.shape_cast %get3A_472 : vector<1x1x16xf32> to vector<16xf32>
        %add3A_474 = arith.addf %add3A_442, %get3A_473 : vector<16xf32>
        %get3A_475 = arith.constant 3 : i32
        %get3A_476 = arith.index_cast %get3A_475 : i32 to index
        %get3A_477 = arith.index_cast %add3A_467 : i32 to index
        %get3A_478 = arith.constant 16 : index
        %get3A_479 = tpu.vector_load %arg6[%get3A_476, %get3A_477, %get3A_478] {strides = array<i32>} : memref<4x200x64xf32, #tpu.memory_space<vmem>>, vector<1x1x16xf32>,
        %get3A_480 = vector.shape_cast %get3A_479 : vector<1x1x16xf32> to vector<16xf32>
        %add3A_481 = arith.addf %add3A_449, %get3A_480 : vector<16xf32>
        %get3A_482 = arith.constant 3 : i32
        %get3A_483 = arith.index_cast %get3A_482 : i32 to index
        %get3A_484 = arith.index_cast %add3A_467 : i32 to index
        %get3A_485 = arith.constant 32 : index
        %get3A_486 = tpu.vector_load %arg6[%get3A_483, %get3A_484, %get3A_485] {strides = array<i32>} : memref<4x200x64xf32, #tpu.memory_space<vmem>>, vector<1x1x16xf32>,
        %get3A_487 = vector.shape_cast %get3A_486 : vector<1x1x16xf32> to vector<16xf32>
        %add3A_488 = arith.addf %add3A_456, %get3A_487 : vector<16xf32>
        %get3A_489 = arith.constant 3 : i32
        %get3A_490 = arith.index_cast %get3A_489 : i32 to index
        %get3A_491 = arith.index_cast %add3A_467 : i32 to index
        %get3A_492 = arith.constant 48 : index
        %get3A_493 = tpu.vector_load %arg6[%get3A_490, %get3A_491, %get3A_492] {strides = array<i32>} : memref<4x200x64xf32, #tpu.memory_space<vmem>>, vector<1x1x16xf32>,
        %get3A_494 = vector.shape_cast %get3A_493 : vector<1x1x16xf32> to vector<16xf32>
        %add3A_495 = arith.addf %add3A_463, %get3A_494 : vector<16xf32>
        %mul3A_496 = arith.constant 8 : i32
        %mul3A_497 = arith.muli %scan3A_364, %mul3A_496 : i32
        %add3A_498 = arith.constant 4 : i32
        %add3A_499 = arith.addi %mul3A_497, %add3A_498 : i32
        %get3A_500 = arith.constant 3 : i32
        %get3A_501 = arith.index_cast %get3A_500 : i32 to index
        %get3A_502 = arith.index_cast %add3A_499 : i32 to index
        %get3A_503 = arith.constant 0 : index
        %get3A_504 = tpu.vector_load %arg6[%get3A_501, %get3A_502, %get3A_503] {strides = array<i32>} : memref<4x200x64xf32, #tpu.memory_space<vmem>>, vector<1x1x16xf32>,
        %get3A_505 = vector.shape_cast %get3A_504 : vector<1x1x16xf32> to vector<16xf32>
        %add3A_506 = arith.addf %add3A_474, %get3A_505 : vector<16xf32>
        %get3A_507 = arith.constant 3 : i32
        %get3A_508 = arith.index_cast %get3A_507 : i32 to index
        %get3A_509 = arith.index_cast %add3A_499 : i32 to index
        %get3A_510 = arith.constant 16 : index
        %get3A_511 = tpu.vector_load %arg6[%get3A_508, %get3A_509, %get3A_510] {strides = array<i32>} : memref<4x200x64xf32, #tpu.memory_space<vmem>>, vector<1x1x16xf32>,
        %get3A_512 = vector.shape_cast %get3A_511 : vector<1x1x16xf32> to vector<16xf32>
        %add3A_513 = arith.addf %add3A_481, %get3A_512 : vector<16xf32>
        %get3A_514 = arith.constant 3 : i32
        %get3A_515 = arith.index_cast %get3A_514 : i32 to index
        %get3A_516 = arith.index_cast %add3A_499 : i32 to index
        %get3A_517 = arith.constant 32 : index
        %get3A_518 = tpu.vector_load %arg6[%get3A_515, %get3A_516, %get3A_517] {strides = array<i32>} : memref<4x200x64xf32, #tpu.memory_space<vmem>>, vector<1x1x16xf32>,
        %get3A_519 = vector.shape_cast %get3A_518 : vector<1x1x16xf32> to vector<16xf32>
        %add3A_520 = arith.addf %add3A_488, %get3A_519 : vector<16xf32>
        %get3A_521 = arith.constant 3 : i32
        %get3A_522 = arith.index_cast %get3A_521 : i32 to index
        %get3A_523 = arith.index_cast %add3A_499 : i32 to index
        %get3A_524 = arith.constant 48 : index
        %get3A_525 = tpu.vector_load %arg6[%get3A_522, %get3A_523, %get3A_524] {strides = array<i32>} : memref<4x200x64xf32, #tpu.memory_space<vmem>>, vector<1x1x16xf32>,
        %get3A_526 = vector.shape_cast %get3A_525 : vector<1x1x16xf32> to vector<16xf32>
        %add3A_527 = arith.addf %add3A_495, %get3A_526 : vector<16xf32>
        %mul3A_528 = arith.constant 8 : i32
        %mul3A_529 = arith.muli %scan3A_364, %mul3A_528 : i32
        %add3A_530 = arith.constant 5 : i32
        %add3A_531 = arith.addi %mul3A_529, %add3A_530 : i32
        %get3A_532 = arith.constant 3 : i32
        %get3A_533 = arith.index_cast %get3A_532 : i32 to index
        %get3A_534 = arith.index_cast %add3A_531 : i32 to index
        %get3A_535 = arith.constant 0 : index
        %get3A_536 = tpu.vector_load %arg6[%get3A_533, %get3A_534, %get3A_535] {strides = array<i32>} : memref<4x200x64xf32, #tpu.memory_space<vmem>>, vector<1x1x16xf32>,
        %get3A_537 = vector.shape_cast %get3A_536 : vector<1x1x16xf32> to vector<16xf32>
        %add3A_538 = arith.addf %add3A_506, %get3A_537 : vector<16xf32>
        %get3A_539 = arith.constant 3 : i32
        %get3A_540 = arith.index_cast %get3A_539 : i32 to index
        %get3A_541 = arith.index_cast %add3A_531 : i32 to index
        %get3A_542 = arith.constant 16 : index
        %get3A_543 = tpu.vector_load %arg6[%get3A_540, %get3A_541, %get3A_542] {strides = array<i32>} : memref<4x200x64xf32, #tpu.memory_space<vmem>>, vector<1x1x16xf32>,
        %get3A_544 = vector.shape_cast %get3A_543 : vector<1x1x16xf32> to vector<16xf32>
        %add3A_545 = arith.addf %add3A_513, %get3A_544 : vector<16xf32>
        %get3A_546 = arith.constant 3 : i32
        %get3A_547 = arith.index_cast %get3A_546 : i32 to index
        %get3A_548 = arith.index_cast %add3A_531 : i32 to index
        %get3A_549 = arith.constant 32 : index
        %get3A_550 = tpu.vector_load %arg6[%get3A_547, %get3A_548, %get3A_549] {strides = array<i32>} : memref<4x200x64xf32, #tpu.memory_space<vmem>>, vector<1x1x16xf32>,
        %get3A_551 = vector.shape_cast %get3A_550 : vector<1x1x16xf32> to vector<16xf32>
        %add3A_552 = arith.addf %add3A_520, %get3A_551 : vector<16xf32>
        %get3A_553 = arith.constant 3 : i32
        %get3A_554 = arith.index_cast %get3A_553 : i32 to index
        %get3A_555 = arith.index_cast %add3A_531 : i32 to index
        %get3A_556 = arith.constant 48 : index
        %get3A_557 = tpu.vector_load %arg6[%get3A_554, %get3A_555, %get3A_556] {strides = array<i32>} : memref<4x200x64xf32, #tpu.memory_space<vmem>>, vector<1x1x16xf32>,
        %get3A_558 = vector.shape_cast %get3A_557 : vector<1x1x16xf32> to vector<16xf32>
        %add3A_559 = arith.addf %add3A_527, %get3A_558 : vector<16xf32>
        %mul3A_560 = arith.constant 8 : i32
        %mul3A_561 = arith.muli %scan3A_364, %mul3A_560 : i32
        %add3A_562 = arith.constant 6 : i32
        %add3A_563 = arith.addi %mul3A_561, %add3A_562 : i32
        %get3A_564 = arith.constant 3 : i32
        %get3A_565 = arith.index_cast %get3A_564 : i32 to index
        %get3A_566 = arith.index_cast %add3A_563 : i32 to index
        %get3A_567 = arith.constant 0 : index
        %get3A_568 = tpu.vector_load %arg6[%get3A_565, %get3A_566, %get3A_567] {strides = array<i32>} : memref<4x200x64xf32, #tpu.memory_space<vmem>>, vector<1x1x16xf32>,
        %get3A_569 = vector.shape_cast %get3A_568 : vector<1x1x16xf32> to vector<16xf32>
        %add3A_570 = arith.addf %add3A_538, %get3A_569 : vector<16xf32>
        %get3A_571 = arith.constant 3 : i32
        %get3A_572 = arith.index_cast %get3A_571 : i32 to index
        %get3A_573 = arith.index_cast %add3A_563 : i32 to index
        %get3A_574 = arith.constant 16 : index
        %get3A_575 = tpu.vector_load %arg6[%get3A_572, %get3A_573, %get3A_574] {strides = array<i32>} : memref<4x200x64xf32, #tpu.memory_space<vmem>>, vector<1x1x16xf32>,
        %get3A_576 = vector.shape_cast %get3A_575 : vector<1x1x16xf32> to vector<16xf32>
        %add3A_577 = arith.addf %add3A_545, %get3A_576 : vector<16xf32>
        %get3A_578 = arith.constant 3 : i32
        %get3A_579 = arith.index_cast %get3A_578 : i32 to index
        %get3A_580 = arith.index_cast %add3A_563 : i32 to index
        %get3A_581 = arith.constant 32 : index
        %get3A_582 = tpu.vector_load %arg6[%get3A_579, %get3A_580, %get3A_581] {strides = array<i32>} : memref<4x200x64xf32, #tpu.memory_space<vmem>>, vector<1x1x16xf32>,
        %get3A_583 = vector.shape_cast %get3A_582 : vector<1x1x16xf32> to vector<16xf32>
        %add3A_584 = arith.addf %add3A_552, %get3A_583 : vector<16xf32>
        %get3A_585 = arith.constant 3 : i32
        %get3A_586 = arith.index_cast %get3A_585 : i32 to index
        %get3A_587 = arith.index_cast %add3A_563 : i32 to index
        %get3A_588 = arith.constant 48 : index
        %get3A_589 = tpu.vector_load %arg6[%get3A_586, %get3A_587, %get3A_588] {strides = array<i32>} : memref<4x200x64xf32, #tpu.memory_space<vmem>>, vector<1x1x16xf32>,
        %get3A_590 = vector.shape_cast %get3A_589 : vector<1x1x16xf32> to vector<16xf32>
        %add3A_591 = arith.addf %add3A_559, %get3A_590 : vector<16xf32>
        %mul3A_592 = arith.constant 8 : i32
        %mul3A_593 = arith.muli %scan3A_364, %mul3A_592 : i32
        %add3A_594 = arith.constant 7 : i32
        %add3A_595 = arith.addi %mul3A_593, %add3A_594 : i32
        %get3A_596 = arith.constant 3 : i32
        %get3A_597 = arith.index_cast %get3A_596 : i32 to index
        %get3A_598 = arith.index_cast %add3A_595 : i32 to index
        %get3A_599 = arith.constant 0 : index
        %get3A_600 = tpu.vector_load %arg6[%get3A_597, %get3A_598, %get3A_599] {strides = array<i32>} : memref<4x200x64xf32, #tpu.memory_space<vmem>>, vector<1x1x16xf32>,
        %get3A_601 = vector.shape_cast %get3A_600 : vector<1x1x16xf32> to vector<16xf32>
        %add3A_602 = arith.addf %add3A_570, %get3A_601 : vector<16xf32>
        %get3A_603 = arith.constant 3 : i32
        %get3A_604 = arith.index_cast %get3A_603 : i32 to index
        %get3A_605 = arith.index_cast %add3A_595 : i32 to index
        %get3A_606 = arith.constant 16 : index
        %get3A_607 = tpu.vector_load %arg6[%get3A_604, %get3A_605, %get3A_606] {strides = array<i32>} : memref<4x200x64xf32, #tpu.memory_space<vmem>>, vector<1x1x16xf32>,
        %get3A_608 = vector.shape_cast %get3A_607 : vector<1x1x16xf32> to vector<16xf32>
        %add3A_609 = arith.addf %add3A_577, %get3A_608 : vector<16xf32>
        %get3A_610 = arith.constant 3 : i32
        %get3A_611 = arith.index_cast %get3A_610 : i32 to index
        %get3A_612 = arith.index_cast %add3A_595 : i32 to index
        %get3A_613 = arith.constant 32 : index
        %get3A_614 = tpu.vector_load %arg6[%get3A_611, %get3A_612, %get3A_613] {strides = array<i32>} : memref<4x200x64xf32, #tpu.memory_space<vmem>>, vector<1x1x16xf32>,
        %get3A_615 = vector.shape_cast %get3A_614 : vector<1x1x16xf32> to vector<16xf32>
        %add3A_616 = arith.addf %add3A_584, %get3A_615 : vector<16xf32>
        %get3A_617 = arith.constant 3 : i32
        %get3A_618 = arith.index_cast %get3A_617 : i32 to index
        %get3A_619 = arith.index_cast %add3A_595 : i32 to index
        %get3A_620 = arith.constant 48 : index
        %get3A_621 = tpu.vector_load %arg6[%get3A_618, %get3A_619, %get3A_620] {strides = array<i32>} : memref<4x200x64xf32, #tpu.memory_space<vmem>>, vector<1x1x16xf32>,
        %get3A_622 = vector.shape_cast %get3A_621 : vector<1x1x16xf32> to vector<16xf32>
        %add3A_623 = arith.addf %add3A_591, %get3A_622 : vector<16xf32>
        scf.yield %add3A_602, %add3A_609, %add3A_616, %add3A_623 : vector<16xf32>, vector<16xf32>, vector<16xf32>, vector<16xf32>
      }
      %scan3A_336 = arith.constant 25 : i32
      %swap3A_337 = arith.index_cast %add3A_298 : i32 to index
      %swap3A_338 = arith.constant 0 : index
      %swap3A_339 = tpu.vector_load %arg7[%swap3A_337, %swap3A_338] {strides = array<i32>} : memref<128x64xf32, #tpu.memory_space<vmem>>, vector<1x16xf32>,
      %swap3A_340 = vector.shape_cast %swap3A_339 : vector<1x16xf32> to vector<16xf32>
      %swap3A_341 = vector.shape_cast %scan3A_335#0 : vector<16xf32> to vector<1x16xf32>
      tpu.vector_store %arg7[%swap3A_337, %swap3A_338], %swap3A_341 {strides = array<i32>} : memref<128x64xf32, #tpu.memory_space<vmem>>, vector<1x16xf32>,
      %swap3A_342 = arith.index_cast %add3A_298 : i32 to index
      %swap3A_343 = arith.constant 16 : index
      %swap3A_344 = tpu.vector_load %arg7[%swap3A_342, %swap3A_343] {strides = array<i32>} : memref<128x64xf32, #tpu.memory_space<vmem>>, vector<1x16xf32>,
      %swap3A_345 = vector.shape_cast %swap3A_344 : vector<1x16xf32> to vector<16xf32>
      %swap3A_346 = vector.shape_cast %scan3A_335#1 : vector<16xf32> to vector<1x16xf32>
      tpu.vector_store %arg7[%swap3A_342, %swap3A_343], %swap3A_346 {strides = array<i32>} : memref<128x64xf32, #tpu.memory_space<vmem>>, vector<1x16xf32>,
      %swap3A_347 = arith.index_cast %add3A_298 : i32 to index
      %swap3A_348 = arith.constant 32 : index
      %swap3A_349 = tpu.vector_load %arg7[%swap3A_347, %swap3A_348] {strides = array<i32>} : memref<128x64xf32, #tpu.memory_space<vmem>>, vector<1x16xf32>,
      %swap3A_350 = vector.shape_cast %swap3A_349 : vector<1x16xf32> to vector<16xf32>
      %swap3A_351 = vector.shape_cast %scan3A_335#2 : vector<16xf32> to vector<1x16xf32>
      tpu.vector_store %arg7[%swap3A_347, %swap3A_348], %swap3A_351 {strides = array<i32>} : memref<128x64xf32, #tpu.memory_space<vmem>>, vector<1x16xf32>,
      %swap3A_352 = arith.index_cast %add3A_298 : i32 to index
      %swap3A_353 = arith.constant 48 : index
      %swap3A_354 = tpu.vector_load %arg7[%swap3A_352, %swap3A_353] {strides = array<i32>} : memref<128x64xf32, #tpu.memory_space<vmem>>, vector<1x16xf32>,
      %swap3A_355 = vector.shape_cast %swap3A_354 : vector<1x16xf32> to vector<16xf32>
      %swap3A_356 = vector.shape_cast %scan3A_335#3 : vector<16xf32> to vector<1x16xf32>
      tpu.vector_store %arg7[%swap3A_352, %swap3A_353], %swap3A_356 {strides = array<i32>} : memref<128x64xf32, #tpu.memory_space<vmem>>, vector<1x16xf32>,
      %add3A_357 = arith.constant 4 : i32
      %add3A_358 = arith.addi %add3A_298, %add3A_357 : i32
      %lt3A_359 = arith.constant 128 : i32
      %lt3A_360 = arith.cmpi slt, %add3A_358, %lt3A_359 : i32
      %convert_element_type3A_361 = arith.extui %lt3A_360 : i1 to i32
      %cond3A_362 = arith.constant 0 : i32
      %cond3A_363 = arith.cmpi ne, %convert_element_type3A_361, %cond3A_362 : i32
      scf.if %cond3A_363 {
        %add3A_364 = arith.constant 4 : i32
        %add3A_365 = arith.addi %add3A_298, %add3A_364 : i32
        %mul3A_366 = arith.constant 200 : i32
        %mul3A_367 = arith.muli %add3A_365, %mul3A_366 : i32
        %dma_start3A_368 = arith.constant 3 : i32
        %dma_start3A_369 = arith.constant 0 : i32
        %dma_start3A_370 = arith.constant 0 : i32
        %dma_start3A_371 = tpu.memref_slice %arg6[%dma_start3A_368, %dma_start3A_369, %dma_start3A_370] : memref<4x200x64xf32, #tpu.memory_space<vmem>> -> memref<1x128x64xf32, #tpu.memory_space<vmem>>
        %dma_start3A_372 = tpu.memref_squeeze %dma_start3A_371 : memref<1x128x64xf32, #tpu.memory_space<vmem>> -> memref<128x64xf32, #tpu.memory_space<vmem>>
        %dma_start3A_373 = tpu.memref_slice %arg5[%mul3A_367] : memref<25600xi32, #tpu.memory_space<vmem>> -> memref<128xi32, #tpu.memory_space<vmem>>
        %dma_start3A_374 = arith.constant 0 : i32
        %dma_start3A_375 = arith.constant 0 : i32
        %dma_start3A_376 = tpu.memref_slice %arg3[%dma_start3A_374, %dma_start3A_375] : memref<1007616x64xf32, #tpu.memory_space<hbm>> -> memref<1007616x64xf32, #tpu.memory_space<hbm>>
        tpu.enqueue_indirect_dma source(%dma_start3A_376 : memref<1007616x64xf32, #tpu.memory_space<hbm>>) target(%dma_start3A_372 : memref<128x64xf32, #tpu.memory_space<vmem>>) offsets(%dma_start3A_373 : memref<128xi32, #tpu.memory_space<vmem>>) semaphore(%arg11 : memref<!tpu.dma_semaphore, #tpu.memory_space<semaphore_mem>>)
        %mul3A_377 = arith.constant 200 : i32
        %mul3A_378 = arith.muli %add3A_365, %mul3A_377 : i32
        %add3A_379 = arith.constant 128 : i32
        %add3A_380 = arith.addi %mul3A_378, %add3A_379 : i32
        %dma_start3A_381 = arith.constant 3 : i32
        %dma_start3A_382 = arith.constant 128 : i32
        %dma_start3A_383 = arith.constant 0 : i32
        %dma_start3A_384 = tpu.memref_slice %arg6[%dma_start3A_381, %dma_start3A_382, %dma_start3A_383] : memref<4x200x64xf32, #tpu.memory_space<vmem>> -> memref<1x72x64xf32, #tpu.memory_space<vmem>>
        %dma_start3A_385 = tpu.memref_squeeze %dma_start3A_384 : memref<1x72x64xf32, #tpu.memory_space<vmem>> -> memref<72x64xf32, #tpu.memory_space<vmem>>
        %dma_start3A_386 = tpu.memref_slice %arg5[%add3A_380] : memref<25600xi32, #tpu.memory_space<vmem>> -> memref<72xi32, #tpu.memory_space<vmem>>
        %dma_start3A_387 = arith.constant 0 : i32
        %dma_start3A_388 = arith.constant 0 : i32
        %dma_start3A_389 = tpu.memref_slice %arg3[%dma_start3A_387, %dma_start3A_388] : memref<1007616x64xf32, #tpu.memory_space<hbm>> -> memref<1007616x64xf32, #tpu.memory_space<hbm>>
        tpu.enqueue_indirect_dma source(%dma_start3A_389 : memref<1007616x64xf32, #tpu.memory_space<hbm>>) target(%dma_start3A_385 : memref<72x64xf32, #tpu.memory_space<vmem>>) offsets(%dma_start3A_386 : memref<72xi32, #tpu.memory_space<vmem>>) semaphore(%arg11 : memref<!tpu.dma_semaphore, #tpu.memory_space<semaphore_mem>>)
      } else {
      }
    }
    %scan3A_92 = arith.constant 32 : i32
    "tpu.region"() ({
      %run_scoped3A = tpu.sem_alloc : memref<!tpu.dma_semaphore, #tpu.memory_space<semaphore_mem>>
      %dma_start3A_93 = arith.constant 0 : i32
      %dma_start3A_94 = tpu.memref_slice %arg4[%mul3A_2, %dma_start3A_93] : memref<4096x64xf32, #tpu.memory_space<hbm>> -> memref<128x64xf32, #tpu.memory_space<hbm>>
      %dma_start3A_95 = arith.constant 0 : i32
      %dma_start3A_96 = tpu.memref_slice %arg4[%mul3A_2, %dma_start3A_95] : memref<4096x64xf32, #tpu.memory_space<hbm>> -> memref<128x64xf32, #tpu.memory_space<hbm>>
      tpu.enqueue_dma source(%arg7 : memref<128x64xf32, #tpu.memory_space<vmem>>) target(%dma_start3A_96 : memref<128x64xf32, #tpu.memory_space<hbm>>) target_semaphore(%run_scoped3A : memref<!tpu.dma_semaphore, #tpu.memory_space<semaphore_mem>>)
      %dma_wait3A = arith.constant 0 : i32
      %dma_wait3A_97 = tpu.memref_slice %arg4[%mul3A_2, %dma_wait3A] : memref<4096x64xf32, #tpu.memory_space<hbm>> -> memref<128x64xf32, #tpu.memory_space<hbm>>
      %dma_wait3A_98 = arith.constant 0 : i32
      %dma_wait3A_99 = tpu.memref_slice %arg4[%mul3A_2, %dma_wait3A_98] : memref<4096x64xf32, #tpu.memory_space<hbm>> -> memref<128x64xf32, #tpu.memory_space<hbm>>
      tpu.wait_dma2 semaphore(%run_scoped3A : memref<!tpu.dma_semaphore, #tpu.memory_space<semaphore_mem>>) src(%arg7 : memref<128x64xf32, #tpu.memory_space<vmem>>) dst(%dma_wait3A_99 : memref<128x64xf32, #tpu.memory_space<hbm>>)
      tpu.yield
    }) : () -> ()
    return
  }
}

module attributes {stable_mosaic.version = 14 : i64} {
  func.func @_transpose_body(%arg0: i32, %arg1: memref<64x8192xf32, #tpu.memory_space<vmem>>, %arg2: memref<4096x128xf32, #tpu.memory_space<vmem>>) attributes {dimension_semantics = [#tpu.dimension_semantics<arbitrary>], iteration_bounds = array<i64: 123>, scalar_prefetch = 0 : i64, scratch_operands = 0 : i64, tpu.core_type = #tpu.core_type<tc>, window_params = [{transform_indices = @transform_0, window_bounds = array<i64: 64, 8192>}, {transform_indices = @transform_1, window_bounds = array<i64: 4096, 128>}]} {
    %get3A = arith.constant 0 : index
    %get3A_0 = arith.constant 0 : index
    %get3A_1 = vector.load %arg1[%get3A, %get3A_0] : memref<64x8192xf32, #tpu.memory_space<vmem>>, vector<64x8192xf32>
    %slice3A = vector.extract_strided_slice %get3A_1 {offsets = [0, 0], sizes = [64, 4096], strides = [1, 1]} : vector<64x8192xf32> to vector<64x4096xf32>
    %transpose3A = tpu.transpose %slice3A, [1, 0] : vector<64x4096xf32> -> vector<4096x64xf32>
    %slice3A_2 = vector.extract_strided_slice %get3A_1 {offsets = [0, 4096], sizes = [64, 4096], strides = [1, 1]} : vector<64x8192xf32> to vector<64x4096xf32>
    %transpose3A_3 = tpu.transpose %slice3A_2, [1, 0] : vector<64x4096xf32> -> vector<4096x64xf32>
    %concatenate3A = tpu.concatenate %transpose3A, %transpose3A_3 in 1 : vector<4096x64xf32>, vector<4096x64xf32> -> vector<4096x128xf32>
    %swap3A = arith.constant 0 : index
    %swap3A_4 = arith.constant 0 : index
    %swap3A_5 = vector.load %arg2[%swap3A, %swap3A_4] : memref<4096x128xf32, #tpu.memory_space<vmem>>, vector<4096x128xf32>
    tpu.vector_store %arg2[%swap3A, %swap3A_4], %concatenate3A {strides = array<i32>} : memref<4096x128xf32, #tpu.memory_space<vmem>>, vector<4096x128xf32>,
    return
  }
  func.func @transform_0(%arg0: i32) -> (i32, i32) {
    %c0_i32 = arith.constant 0 : i32
    %c0_i32_0 = arith.constant 0 : i32
    return %c0_i32, %arg0 : i32, i32
  }
  func.func @transform_1(%arg0: i32) -> (i32, i32) {
    %c0_i32 = arith.constant 0 : i32
    %c0_i32_0 = arith.constant 0 : i32
    return %arg0, %c0_i32 : i32, i32
  }
}

module attributes {stable_mosaic.version = 14 : i64} {
  func.func @_mlp_body(%arg0: i32, %arg1: memref<4096x64xf32, #tpu.memory_space<vmem>>, %arg2: memref<2000x64xf32, #tpu.memory_space<vmem>>, %arg3: memref<1x2000xf32, #tpu.memory_space<vmem>>, %arg4: memref<1x2000xf32, #tpu.memory_space<vmem>>, %arg5: memref<1000x2000xf32, #tpu.memory_space<vmem>>, %arg6: memref<1x1000xf32, #tpu.memory_space<vmem>>, %arg7: memref<512x1000xf32, #tpu.memory_space<vmem>>, %arg8: memref<1x2000xf32, #tpu.memory_space<vmem>>, %arg9: memref<1x64xf32, #tpu.memory_space<vmem>>) attributes {dimension_semantics = [#tpu.dimension_semantics<arbitrary>], iteration_bounds = array<i64: 8>, scalar_prefetch = 0 : i64, scratch_operands = 2 : i64, tpu.core_type = #tpu.core_type<tc>, window_params = [{pipeline_mode = #tpu.pipeline_mode<synchronous>, transform_indices = @transform_0, window_bounds = array<i64: 4096, 64>}, {pipeline_mode = #tpu.pipeline_mode<synchronous>, transform_indices = @transform_1, window_bounds = array<i64: 2000, 64>}, {pipeline_mode = #tpu.pipeline_mode<synchronous>, transform_indices = @transform_2, window_bounds = array<i64: 1, 2000>}, {pipeline_mode = #tpu.pipeline_mode<synchronous>, transform_indices = @transform_3, window_bounds = array<i64: 1, 2000>}, {pipeline_mode = #tpu.pipeline_mode<synchronous>, transform_indices = @transform_4, window_bounds = array<i64: 1000, 2000>}, {pipeline_mode = #tpu.pipeline_mode<synchronous>, transform_indices = @transform_5, window_bounds = array<i64: 1, 1000>}, {transform_indices = @transform_6, window_bounds = array<i64: 512, 1000>}]} {
    %eq3A = arith.constant 0 : i32
    %eq3A_0 = arith.cmpi eq, %arg0, %eq3A : i32
    %convert_element_type3A = arith.extui %eq3A_0 : i1 to i32
    %cond3A = arith.constant 0 : i32
    %cond3A_1 = arith.cmpi ne, %convert_element_type3A, %cond3A : i32
    scf.if %cond3A_1 {
      %get3A_39 = arith.constant 0 : index
      %get3A_40 = arith.constant 0 : index
      %get3A_41 = vector.load %arg1[%get3A_39, %get3A_40] : memref<4096x64xf32, #tpu.memory_space<vmem>>, vector<4096x64xf32>
      %mul3A_42 = arith.constant 5.000000e-03 : f32
      %mul3A_43 = vector.broadcast %mul3A_42 : f32 to vector<4096x64xf32>
      %mul3A_44 = arith.mulf %get3A_41, %mul3A_43 : vector<4096x64xf32>
      %reduce_sum3A = arith.constant dense<0.000000e+00> : vector<64xf32>
      %reduce_sum3A_45 = vector.multi_reduction <add>, %mul3A_44, %reduce_sum3A [0] : vector<4096x64xf32> to vector<64xf32>
      %div3A = arith.constant 4.096000e+03 : f32
      %div3A_46 = vector.broadcast %div3A : f32 to vector<64xf32>
      %div3A_47 = arith.divf %reduce_sum3A_45, %div3A_46 : vector<64xf32>
      %dot_general3A_48 = arith.constant dense<0.000000e+00> : vector<64x64xf32>
      %dot_general3A_49 = tpu.matmul %mul3A_44, %mul3A_44, %dot_general3A_48 {dimension_numbers = #tpu.dot_dimension_numbers<[0], [0], [1], [1], [0, 1, 1, 1], [], []>, transpose_lhs_hint = false} : vector<4096x64xf32>, vector<4096x64xf32>, vector<64x64xf32> -> vector<64x64xf32>
      %div3A_50 = arith.constant 4.096000e+03 : f32
      %div3A_51 = vector.broadcast %div3A_50 : f32 to vector<64x64xf32>
      %div3A_52 = arith.divf %dot_general3A_49, %div3A_51 : vector<64x64xf32>
      %broadcast_in_dim3A = vector.shape_cast %div3A_47 : vector<64xf32> to vector<64x1xf32>
      %broadcast_in_dim3A_53 = vector.shape_cast %div3A_47 : vector<64xf32> to vector<1x64xf32>
      %mul3A_54 = vector.broadcast %broadcast_in_dim3A : vector<64x1xf32> to vector<64x64xf32>
      %mul3A_55 = vector.broadcast %broadcast_in_dim3A_53 : vector<1x64xf32> to vector<64x64xf32>
      %mul3A_56 = arith.mulf %mul3A_54, %mul3A_55 : vector<64x64xf32>
      %sub3A_57 = arith.subf %div3A_52, %mul3A_56 : vector<64x64xf32>
      %get3A_58 = arith.constant 0 : index
      %get3A_59 = arith.constant 0 : index
      %get3A_60 = vector.load %arg2[%get3A_58, %get3A_59] : memref<2000x64xf32, #tpu.memory_space<vmem>>, vector<2000x64xf32>
      %dot_general3A_61 = arith.constant dense<0.000000e+00> : vector<2000x64xf32>
      %dot_general3A_62 = tpu.matmul %get3A_60, %sub3A_57, %dot_general3A_61 {dimension_numbers = #tpu.dot_dimension_numbers<[1], [0], [0], [1], [0, 0, 1, 1], [], []>, transpose_lhs_hint = false} : vector<2000x64xf32>, vector<64x64xf32>, vector<2000x64xf32> -> vector<2000x64xf32>
      %get3A_63 = arith.constant 0 : index
      %get3A_64 = arith.constant 0 : index
      %get3A_65 = vector.load %arg2[%get3A_63, %get3A_64] : memref<2000x64xf32, #tpu.memory_space<vmem>>, vector<2000x64xf32>
      %mul3A_66 = arith.mulf %dot_general3A_62, %get3A_65 : vector<2000x64xf32>
      %reduce_sum3A_67 = arith.constant dense<0.000000e+00> : vector<2000xf32>
      %reduce_sum3A_68 = vector.multi_reduction <add>, %mul3A_66, %reduce_sum3A_67 [1] : vector<2000x64xf32> to vector<2000xf32>
      %get3A_69 = arith.constant 0 : index
      %get3A_70 = arith.constant 0 : index
      %get3A_71 = vector.load %arg3[%get3A_69, %get3A_70] : memref<1x2000xf32, #tpu.memory_space<vmem>>, vector<1x2000xf32>
      %add3A_72 = arith.constant 9.99999974E-6 : f32
      %add3A_73 = vector.broadcast %add3A_72 : f32 to vector<2000xf32>
      %add3A_74 = arith.addf %reduce_sum3A_68, %add3A_73 : vector<2000xf32>
      %rsqrt3A = math.rsqrt %add3A_74 : vector<2000xf32>
      %broadcast_in_dim3A_75 = vector.shape_cast %rsqrt3A : vector<2000xf32> to vector<1x2000xf32>
      %mul3A_76 = arith.mulf %get3A_71, %broadcast_in_dim3A_75 : vector<1x2000xf32>
      %swap3A_77 = arith.constant 0 : index
      %swap3A_78 = arith.constant 0 : index
      %swap3A_79 = vector.load %arg8[%swap3A_77, %swap3A_78] : memref<1x2000xf32, #tpu.memory_space<vmem>>, vector<1x2000xf32>
      tpu.vector_store %arg8[%swap3A_77, %swap3A_78], %mul3A_76 {strides = array<i32>} : memref<1x2000xf32, #tpu.memory_space<vmem>>, vector<1x2000xf32>,
      %broadcast_in_dim3A_80 = vector.shape_cast %div3A_47 : vector<64xf32> to vector<1x64xf32>
      %swap3A_81 = arith.constant 0 : index
      %swap3A_82 = arith.constant 0 : index
      %swap3A_83 = vector.load %arg9[%swap3A_81, %swap3A_82] : memref<1x64xf32, #tpu.memory_space<vmem>>, vector<1x64xf32>
      tpu.vector_store %arg9[%swap3A_81, %swap3A_82], %broadcast_in_dim3A_80 {strides = array<i32>} : memref<1x64xf32, #tpu.memory_space<vmem>>, vector<1x64xf32>,
    } else {
    }
    %mul3A = arith.constant 512 : i32
    %mul3A_2 = arith.muli %arg0, %mul3A : i32
    %get3A = arith.index_cast %mul3A_2 : i32 to index
    %get3A_3 = arith.constant 0 : index
    %get3A_4 = vector.load %arg1[%get3A, %get3A_3] : memref<4096x64xf32, #tpu.memory_space<vmem>>, vector<512x64xf32>
    %mul3A_5 = arith.constant 5.000000e-03 : f32
    %mul3A_6 = vector.broadcast %mul3A_5 : f32 to vector<512x64xf32>
    %mul3A_7 = arith.mulf %get3A_4, %mul3A_6 : vector<512x64xf32>
    %get3A_8 = arith.constant 0 : index
    %get3A_9 = arith.constant 0 : index
    %get3A_10 = vector.load %arg9[%get3A_8, %get3A_9] : memref<1x64xf32, #tpu.memory_space<vmem>>, vector<1x64xf32>
    %sub3A = vector.broadcast %get3A_10 : vector<1x64xf32> to vector<512x64xf32>
    %sub3A_11 = arith.subf %mul3A_7, %sub3A : vector<512x64xf32>
    %get3A_12 = arith.constant 0 : index
    %get3A_13 = arith.constant 0 : index
    %get3A_14 = vector.load %arg2[%get3A_12, %get3A_13] : memref<2000x64xf32, #tpu.memory_space<vmem>>, vector<2000x64xf32>
    %dot_general3A = arith.constant dense<0.000000e+00> : vector<512x2000xf32>
    %dot_general3A_15 = tpu.matmul %sub3A_11, %get3A_14, %dot_general3A {dimension_numbers = #tpu.dot_dimension_numbers<[1], [1], [0], [0], [0, 0, 1, 0], [], []>, transpose_lhs_hint = false} : vector<512x64xf32>, vector<2000x64xf32>, vector<512x2000xf32> -> vector<512x2000xf32>
    %get3A_16 = arith.constant 0 : index
    %get3A_17 = arith.constant 0 : index
    %get3A_18 = vector.load %arg8[%get3A_16, %get3A_17] : memref<1x2000xf32, #tpu.memory_space<vmem>>, vector<1x2000xf32>
    %mul3A_19 = vector.broadcast %get3A_18 : vector<1x2000xf32> to vector<512x2000xf32>
    %mul3A_20 = arith.mulf %dot_general3A_15, %mul3A_19 : vector<512x2000xf32>
    %get3A_21 = arith.constant 0 : index
    %get3A_22 = arith.constant 0 : index
    %get3A_23 = vector.load %arg4[%get3A_21, %get3A_22] : memref<1x2000xf32, #tpu.memory_space<vmem>>, vector<1x2000xf32>
    %add3A = vector.broadcast %get3A_23 : vector<1x2000xf32> to vector<512x2000xf32>
    %add3A_24 = arith.addf %mul3A_20, %add3A : vector<512x2000xf32>
    %max3A = arith.constant 0.000000e+00 : f32
    %max3A_25 = vector.broadcast %max3A : f32 to vector<512x2000xf32>
    %max3A_26 = arith.maximumf %add3A_24, %max3A_25 : vector<512x2000xf32>
    %get3A_27 = arith.constant 0 : index
    %get3A_28 = arith.constant 0 : index
    %get3A_29 = vector.load %arg5[%get3A_27, %get3A_28] : memref<1000x2000xf32, #tpu.memory_space<vmem>>, vector<1000x2000xf32>
    %dot_general3A_30 = arith.constant dense<0.000000e+00> : vector<512x1000xf32>
    %dot_general3A_31 = tpu.matmul %max3A_26, %get3A_29, %dot_general3A_30 {dimension_numbers = #tpu.dot_dimension_numbers<[1], [1], [0], [0], [0, 0, 1, 0], [], []>, transpose_lhs_hint = false} : vector<512x2000xf32>, vector<1000x2000xf32>, vector<512x1000xf32> -> vector<512x1000xf32>
    %get3A_32 = arith.constant 0 : index
    %get3A_33 = arith.constant 0 : index
    %get3A_34 = vector.load %arg6[%get3A_32, %get3A_33] : memref<1x1000xf32, #tpu.memory_space<vmem>>, vector<1x1000xf32>
    %add3A_35 = vector.broadcast %get3A_34 : vector<1x1000xf32> to vector<512x1000xf32>
    %add3A_36 = arith.addf %dot_general3A_31, %add3A_35 : vector<512x1000xf32>
    %swap3A = arith.constant 0 : index
    %swap3A_37 = arith.constant 0 : index
    %swap3A_38 = vector.load %arg7[%swap3A, %swap3A_37] : memref<512x1000xf32, #tpu.memory_space<vmem>>, vector<512x1000xf32>
    tpu.vector_store %arg7[%swap3A, %swap3A_37], %add3A_36 {strides = array<i32>} : memref<512x1000xf32, #tpu.memory_space<vmem>>, vector<512x1000xf32>,
    return
  }
  func.func @transform_0(%arg0: i32) -> (i32, i32) {
    %c0_i32 = arith.constant 0 : i32
    %c0_i32_0 = arith.constant 0 : i32
    %c0_i32_1 = arith.constant 0 : i32
    return %c0_i32, %c0_i32_0 : i32, i32
  }
  func.func @transform_1(%arg0: i32) -> (i32, i32) {
    %c0_i32 = arith.constant 0 : i32
    %c0_i32_0 = arith.constant 0 : i32
    %c0_i32_1 = arith.constant 0 : i32
    return %c0_i32, %c0_i32_0 : i32, i32
  }
  func.func @transform_2(%arg0: i32) -> (i32, i32) {
    %c0_i32 = arith.constant 0 : i32
    %c0_i32_0 = arith.constant 0 : i32
    %c0_i32_1 = arith.constant 0 : i32
    return %c0_i32, %c0_i32_0 : i32, i32
  }
  func.func @transform_3(%arg0: i32) -> (i32, i32) {
    %c0_i32 = arith.constant 0 : i32
    %c0_i32_0 = arith.constant 0 : i32
    %c0_i32_1 = arith.constant 0 : i32
    return %c0_i32, %c0_i32_0 : i32, i32
  }
  func.func @transform_4(%arg0: i32) -> (i32, i32) {
    %c0_i32 = arith.constant 0 : i32
    %c0_i32_0 = arith.constant 0 : i32
    %c0_i32_1 = arith.constant 0 : i32
    return %c0_i32, %c0_i32_0 : i32, i32
  }
  func.func @transform_5(%arg0: i32) -> (i32, i32) {
    %c0_i32 = arith.constant 0 : i32
    %c0_i32_0 = arith.constant 0 : i32
    %c0_i32_1 = arith.constant 0 : i32
    return %c0_i32, %c0_i32_0 : i32, i32
  }
  func.func @transform_6(%arg0: i32) -> (i32, i32) {
    %c0_i32 = arith.constant 0 : i32
    %c0_i32_0 = arith.constant 0 : i32
    return %arg0, %c0_i32 : i32, i32
  }
}

</mosaic_0001>

<sc_bundles>
// kernel: kernel.5.cloned.1.call-start
scs
__scs_entry_jumppad:
0x0: {  	(pc) =	sbr.rel $0x88, $3  }
0x1: {  	(tag) =	ssettag $0x0;
	lr =	simm.s32 $0x1  }
0x2: {  	[smem:$0x3F9A] =	sst lr;
	_ =	strace $0xD0000000  }
0x3: {  	_ = 	snop  }
0x4: {  	_ = 	snop  }
0x5: {  	_ = 	snop  }
0x6: {  	_ = 	snop  }
0x7: {  	_ = 	snop  }
__scs_overlays_trampoline_lowered:
0x8: {  	[smem:$0x3FA9] =	sst s0  }
0x9: {  	[smem:$0x3FAA] =	sst s1  }
0xa: {  	[smem:$0x3FAB] =	sst s2  }
0xb: {  	[smem:$0x3FAC] =	sst s3  }
0xc: {  	[smem:$0x3FAD] =	sst s4  }
0xd: {  	[smem:$0x3FAE] =	sst s5  }
0xe: {  	[smem:$0x3FAF] =	sst s6  }
0xf: {  	[smem:$0x3FB0] =	sst s7  }
0x10: {  	[smem:$0x3FB1] =	sst s8  }
0x11: {  	[smem:$0x3FB2] =	sst s9;
	s0 =	simm.s32 @!p0 $0x0  }
0x12: {  	s1 =	sld [smem:$0x3F98];
	s0 =	simm.s32 @p0 $0x1  }
0x13: {  	[smem:$0x3FB3] =	sst s0;
	s0 =	simm.s32 @!p1 $0x0  }
0x14: {  	s2 =	sld [smem:$0x3F97];
	s0 =	simm.s32 @p1 $0x1  }
0x15: {  	[smem:$0x3FB4] =	sst s0;
	s0 =	simm.s32 @!p2 $0x0  }
0x16: {  	s3 =	sld [smem:$0x3FDB];
	s0 =	simm.s32 @p2 $0x1  }
0x17: {  	s4 =	simm.s32 $0x1BF5;
	[smem:$0x3FB6] =	sst s0  }
0x18: {  	s0 =	sld [smem:$0x3F99];
	_ =	swait.ge [sflag:s4], $0x0  }
0x19: {  	s7 =	sld [smem:$0x3F9A]  }
0x1a: {  	s8 =	sadd.s32 $0xFFFFE003, lr  }
0x1b: {  	s9 =	sadd.s32 $0xFFFFFEF7, lr;
	s5 =	simm.s32 $0xFFFFFFFF;
	p2 =	slt.u32 s8, $0xFFFFF086  }
0x1c: {  	p1 =	slt.u32 s9, $0xF7A;
	s5 =	simm.s32 @!p2 $0x0  }
0x1d: {  	s5 =	simm.s32 @p1 $0x1;
	p0 =	seq.s32 s7, s2  }
0x1e: {  	s7 =	smul.u32 @!p0 $0xF7A, s2;
	p2 =	seq.s32 @!p0 s5, $0x0  }
0x1f: {  	s9 =	smul.u32 $0xF7A, s1;
	s8 =	simm.s32 @!p0 $0x1BF5;
	p2 =	por !p2, p0  }
0x20: {  	[sflag:s8] =	ssyncset.s32 @!p0 $0xFFFFF086;
	s6 =	sadd.s32 @!p0 s3, s7;
	s7 =	simm.s32 @!p0 $0x108  }
0x21: {  	s3 =	sadd.s32 s3, s9;
	s6 =	sadd.s32 @!p0 $0x88, s6;
	s7 =	simm.s32 @p2 $0x1082  }
0x22: {  	[simem:s7], [sflag:s8] =	dma.local @!p0 [hbm:s6], $0xF7A  }
0x23: {  	s9 =	sor.u32 $0xD0000000, s2;
	s6 =	simm.s32 $0x108;
	_ =	swait.ge @!p0 [sflag:s8], $0x0  }
0x24: {  	s3 =	sadd.s32 $0x88, s3;
	s6 =	simm.s32 @!p1 $0x1082;
	[sflag:s4] =	ssyncset.s32 $0xFFFFF086  }
0x25: {  	[simem:s6], [sflag:s4] =	dma.local [hbm:s3], $0xF7A  }
0x26: {  	[smem:$0x3F9A] =	sst s1;
	(tag) =	ssettag s2;
	_ =	strace s9  }
0x27: {  	s1 =	sld [smem:$0x3FAA]  }
0x28: {  	s2 =	sld [smem:$0x3FAB]  }
0x29: {  	s4 =	sld [smem:$0x3FAD]  }
0x2a: {  	p0 =	seq.s32 s5, $0x0;
	s5 =	sld [smem:$0x3FAE]  }
0x2b: {  	s6 =	sld [smem:$0x3FAF]  }
0x2c: {  	s7 =	sld [smem:$0x3FB0]  }
0x2d: {  	s3 =	simm.s32 $0x108;
	s8 =	sld [smem:$0x3FB1]  }
0x2e: {  	s3 =	simm.s32 @!p0 $0x1082;
	s9 =	sld [smem:$0x3FB2]  }
0x2f: {  	lr =	sadd.s32 s0, s3;
	s0 =	sld [smem:$0x3FA9]  }
0x30: {  	s3 =	sld [smem:$0x3FAC]  }
0x31: {  	[smem:$0x3FB5] =	sst s10  }
0x32: {  	s10 =	sld [smem:$0x3FB3];
	_ =	sdelay $0x3  }
0x33: {  	p0 =	seq.s32 s10, $0x1;
	s10 =	sld [smem:$0x3FB5];
	_ =	sdelay $0x3  }
0x34: {  	[smem:$0x3FB5] =	sst s10  }
0x35: {  	s10 =	sld [smem:$0x3FB4];
	_ =	sdelay $0x3  }
0x36: {  	p1 =	seq.s32 s10, $0x1;
	s10 =	sld [smem:$0x3FB5];
	_ =	sdelay $0x3  }
0x37: {  	[smem:$0x3FB5] =	sst s10  }
0x38: {  	s10 =	sld [smem:$0x3FB6]  }
0x39: {  	_ = 	snop;
	(pc) =	sbr.ind lr, $3  }
0x3a: {  	_ = 	snop  }
0x3b: {  	_ = 	snop  }
0x3c: {  	p2 =	seq.s32 s10, $0x1;
	s10 =	sld [smem:$0x3FB5]  }
0x3d: {  	_ =	shalt  }
0x3e: {  	_ =	shalt  }
0x3f: {  	_ =	shalt  }
0x40: {  	_ =	shalt  }
0x41: {  	_ =	shalt  }
0x42: {  	_ =	shalt  }
0x43: {  	_ =	shalt  }
0x44: {  	_ =	shalt  }
0x45: {  	_ =	shalt  }
0x46: {  	_ =	shalt  }
0x47: {  	_ =	shalt  }
0x48: {  	_ =	shalt  }
0x49: {  	_ =	shalt  }
0x4a: {  	_ =	shalt  }
0x4b: {  	_ =	shalt  }
0x4c: {  	_ =	shalt  }
0x4d: {  	_ =	shalt  }
0x4e: {  	_ =	shalt  }
0x4f: {  	_ =	shalt  }
0x50: {  	_ =	shalt  }
0x51: {  	_ =	shalt  }
0x52: {  	_ =	shalt  }
0x53: {  	_ =	shalt  }
0x54: {  	_ =	shalt  }
0x55: {  	_ =	shalt  }
0x56: {  	_ =	shalt  }
0x57: {  	_ =	shalt  }
0x58: {  	_ =	shalt  }
0x59: {  	_ =	shalt  }
0x5a: {  	_ =	shalt  }
0x5b: {  	_ =	shalt  }
0x5c: {  	_ =	shalt  }
0x5d: {  	_ =	shalt  }
0x5e: {  	_ =	shalt  }
0x5f: {  	_ =	shalt  }
0x60: {  	_ =	shalt  }
0x61: {  	_ =	shalt  }
0x62: {  	_ =	shalt  }
0x63: {  	_ =	shalt  }
0x64: {  	_ =	shalt  }
0x65: {  	_ =	shalt  }
0x66: {  	_ =	shalt  }
0x67: {  	_ =	shalt  }
0x68: {  	_ =	shalt  }
0x69: {  	_ =	shalt  }
0x6a: {  	_ =	shalt  }
0x6b: {  	_ =	shalt  }
0x6c: {  	_ =	shalt  }
0x6d: {  	_ =	shalt  }
0x6e: {  	_ =	shalt  }
0x6f: {  	_ =	shalt  }
0x70: {  	_ =	shalt  }
0x71: {  	_ =	shalt  }
0x72: {  	_ =	shalt  }
0x73: {  	_ =	shalt  }
0x74: {  	_ =	shalt  }
0x75: {  	_ =	shalt  }
0x76: {  	_ =	shalt  }
0x77: {  	_ =	shalt  }
0x78: {  	_ =	shalt  }
0x79: {  	_ =	shalt  }
0x7a: {  	_ =	shalt  }
0x7b: {  	_ =	shalt  }
0x7c: {  	_ =	shalt  }
0x7d: {  	_ =	shalt  }
0x7e: {  	_ =	shalt  }
0x7f: {  	_ =	shalt  }
0x80: {  	_ =	shalt  }
0x81: {  	_ =	shalt  }
0x82: {  	_ =	shalt  }
0x83: {  	_ =	shalt  }
0x84: {  	_ =	shalt  }
0x85: {  	_ =	shalt  }
0x86: {  	_ =	shalt  }
0x87: {  	_ =	shalt  }
.Lfunc_end0:
.L_simem_size_0:
called_computation_lowered:
.L_overlay_start_0:
0x88: {  	s2 =	sld [smem:$0x3FD9]  }
0x89: {  	s3 =	sld [smem:$0x3FFE];
	_ =	sdelay $0x1  }
0x8a: {  	s1 =	srdreg.scid  }
0x8b: {  	s0 =	sand.u32 $0x1, s1  }
0x8c: {  	s17 =	sshll.u32 s0, $0xA;
	s2 =	sadd.s32 s3, s2  }
0x8d: {  	s2 =	sadd.s32 s2, s17  }
0x8e: {  	[smem:$0x3FC1] =	sst s2  }
0x8f: {  	_ = 	snop  }
0x90: {  	s2 =	sld [smem:$0x3FD0];
	(tm) =	ssettm $0x1  }
0x91: {  	s18 =	sld [smem:$0x3FFB];
	_ =	sdelay $0x3  }
0x92: {  	_ =	strace s18  }
0x93: {  	s3 =	sld [smem:$0x3FFC];
	_ =	sdelay $0x3  }
0x94: {  	_ =	strace s3  }
0x95: {  	s3 =	sld [smem:$0x3FFD];
	_ =	sdelay $0x3  }
0x96: {  	_ =	strace s3  }
0x97: {  	_ =	strace $0x8FFFFFFF  }
0x98: {  	s19 =	sld [smem:$0x3FDB];
	_ =	sdelay $0x1  }
0x99: {  	s4 =	simm.s32 $_scs_section_size  }
0x9a: {  	s5 =	simm.s32 $_size__tile_overlayer_lowered;
	s6 =	simm.s32 $_tile_overlayer_lowered  }
0x9b: {  	s22 =	simm.s32 $0x1BFF;
	s21 =	sshll.u32 s6, $0x1;
	s3 =	sadd.s32 s4, s19  }
0x9c: {  	s7 =	simm.s32 $0x0;
	s20 =	sshll.u32 s5, $0x1;
	s5 =	sadd.s32 s21, s3  }
0x9d: {  	[timem:s7], [sflag:s22] =	dma.local [hbm:s5], s20  }
0x9e: {  	_ =	swait.ge [sflag:s22], s20  }
0x9f: {  	s4 =	ssub.s32 $0x0, s20;
	[sflag:s22] =	ssyncset.done $0x0  }
0xa0: {  	[sflag:s22] =	ssyncadd.s32 s4;
	_ =	sdelay $0x1  }
0xa1: {  	s23 =	simm.s32 $0x1B8B  }
0xa2: {  	_ =	swait.ge [sflag:s23], $0x1  }
0xa3: {  	[sflag:s23] =	ssyncset.done $0x0  }
0xa4: {  	s25 =	simm.s32 $0x1B8E;
	s24 =	sld [smem:$0x3FFE];
	[sflag:s23] =	ssyncadd.s32 $0xFFFFFFFF  }
0xa5: {  	s26 =	simm.s32 $execute0_lowered;
	[smem:$0x3FD2] =	sst s25  }
0xa6: {  	s5 =	sshll.u32 s26, $0x1;
	_ =	strace $0x80000046;
	[dreg:$0x1] =	wrdreg $0xFFFFFFFF  }
0xa7: {  	s28 =	simm.s32 $_size_execute0_lowered;
	s3 =	sadd.s32 s3, s5;
	[dreg:$0x0] =	wrdreg $0x0  }
0xa8: {  	s5 =	sshll.u32 s28, $0x1;
	[dreg:$0x2] =	wrdreg s3  }
0xa9: {  	[dreg:$0x3] =	wrdreg s5  }
0xaa: {  	[dreg:$0x4] =	wrdreg $0xC0  }
0xab: {  	_ =	task [dreg:s7], $0x5FFFF  }
0xac: {  	[dreg:$0x1] =	wrdreg $0xFFFFFFFF  }
0xad: {  	[dreg:$0x0] =	wrdreg $0x60  }
0xae: {  	[dreg:$0x2] =	wrdreg s2  }
0xaf: {  	[dreg:$0x3] =	wrdreg s24  }
0xb0: {  	[dreg:$0x4] =	wrdreg $0x9  }
0xb1: {  	_ =	task.clear_ibuf [dreg:s7], $0x5FFFF;
	_ =	strace $0x90000046  }
0xb2: {  	s29 =	simm.s32 $0x9;
	_ =	strace $0x80000048  }
0xb3: {  	_ =	swait.ge [sflag:s29], $0x1  }
0xb4: {  	[sflag:s29] =	ssyncadd.s32 $0xFFFFFFFF  }
0xb5: {  	_ =	strace $0x90000048  }
0xb6: {  	_ =	sfence  }
0xb7: {  	s30 =	sld [smem:$0x0];
	_ =	sdelay $0x2  }
0xb8: {  	s31 =	sshll.u32 s1, $0xD;
	s1 =	sshrl.u32 s1, $0x2  }
0xb9: {  	s3 =	sand.u32 $0x4000, s31;
	s1 =	sadd.s32 s1, s30  }
0xba: {  	s0 =	sor.u32 s3, s0;
	s1 =	sshll.u32 s1, $0x11  }
0xbb: {  	s0 =	sor.u32 s1, s0  }
0xbc: {  	s0 =	sadd.s32 $0x8F2B, s0  }
0xbd: {  	[sflag:s0] =	ssyncadd.remote.s32 $0x1  }
0xbe: {  	_ =	sfence.sel $0xFFFF  }
0xbf: {  	[dreg:$0x0] =	wrdreg $0xFFFFFFFF;
	(pc) =	sbr.abs _section_cstart, $3  }
0xc0: {  	[dreg:$0x1] =	wrdreg $0xFFFFFFFF  }
0xc1: {  	_ =	task.clear_ibuf [dreg:s7], $0x2FFFF;
	_ =	strace $0x9FFFFFFF  }
0xc2: {  	(tm) =	ssettm $0x7FFFFFFF  }
0xc3: {  	_ =	shalt  }
tec
execute0_lowered:
.L_overlay_start_1:
0x0: {  	(tag) =	ssettag $0x1  }
0x1: {  	s0 =	rddreg [dreg:$0x0]  }
0x2: {  	s1 =	rddreg [dreg:$0x1]  }
0x3: {  	s2 =	simm.s32 $0x0;
	s3 =	srdreg.scid;
	s4 =	stileid.u32  }
0x4: {  	s7 =	simm.s32 $0x5;
	s8 =	simm.s32 $0x80;
	s10 =	simm.s32 $0x48  }
0x5: {  	s13 =	simm.s32 $0x9600;
	s14 =	simm.s32 $0x148;
	s15 =	simm.s32 $0xB600  }
0x6: {  	s16 =	simm.s32 $0x190;
	s17 =	simm.s32 $0xC800;
	s18 =	simm.s32 $0x210  }
0x7: {  	s19 =	simm.s32 $0xE800;
	s20 =	simm.s32 $0x258;
	s21 =	simm.s32 $0xFA00  }
0x8: {  	s22 =	simm.s32 $0x2D8;
	s23 =	simm.s32 $0x11A00;
	s24 =	simm.s32 $0x1  }
0x9: {  	s25 =	simm.s32 $0x2;
	s26 =	simm.s32 $0x3;
	s28 =	simm.s32 $0x4  }
0xa: {  	s29 =	simm.s32 $0x12C00;
	s30 =	simm.s32 $0x0;
	[smem:$0x7FF] =	sst s2  }
.Ltmp0:
0xb: {  	s3 =	sand.u32 $0x1, s3;
	s4 =	sshll.u32 s4, $0x1;
	(pc) =	sbr.rel .LBB2_1-.Ltmp0, $4  }
0xc: {  	_ =	strace $0x80000047;
	s4 =	sor.u32 s3, s4;
	s6 =	ssub.s32 $0x2, s3  }
0xd: {  	s5 =	sshll.u32 s4, $0xA;
	s4 =	smul.u32 $0xC80, s4;
	s31 =	sshrl.u32 s6, $0x1  }
0xe: {  	s3 =	sadd.s32 $0xE00, s1;
	s1 =	sadd.s32 s5, s1;
	s6 =	ssub.s32 s6, s31  }
0xf: {  	s4 =	sadd.s32 s0, s4;
	s5 =	sadd.s32 $0x7B0E00, s1;
	s6 =	smax.u32 s6, $0x1  }
.LBB2_14:
0x10: {  	s30 =	sadd.s32 $0x1, s30  }
0x11: {  	p0 =	sne.s32 s30, s6  }
.Ltmp1:
0x12: {  	_ = 	snop;
	(pc) =	sbr.rel @!p0 .LBB2_15-.Ltmp1, $4  }
0x13: {  	[hbm4b:s5+s2] =	stream.linear.scatter [tilespmem:s29], [sflag:$0x5], $0x2000, $0x38;
	[tilespmem:$0x14C00] =	vst v63  }
0x14: {  	_ =	swait.ge [sflag:s7], $0x2000  }
0x15: {  	[sflag:s7] =	ssyncset.done $0x0  }
0x16: {  	[sflag:s7] =	ssyncadd.s32 $0xFFFFE000  }
.LBB2_1:
0x17: {  	[tilespmem:s2], [sflag:$0x5] =	stream.linear.gather [hbm4b:s4+s2], $0x6400, $0x38;
	[tilespmem:$0x14C00] =	vst v63  }
0x18: {  	_ =	swait.ge [sflag:s7], $0x6400  }
0x19: {  	[sflag:s7] =	ssyncset.done $0x0  }
0x1a: {  	s0 =	simm.s32 $0x0;
	s1 =	simm.s32 $0x40;
	[sflag:s7] =	ssyncadd.s32 $0xFFFF9C00  }
.LBB2_2:
0x1b: {  	p0 =	sne.s32 s1, $0x18FC0;
	v0 =	vld [tilespmem:s0+$0x0];
	_ =	sdelay $0x4  }
.Ltmp2:
0x1c: {  	v1 =	vshll.u32 v0, $0x1;
	(pc) =	sbr.rel @p0 .LBB2_2-.Ltmp2, $4  }
0x1d: {  	v2 =	vand.u32 $0xFFFFE000, v0;
	v0 =	vshrl.u32 v0, $0xC;
	v1 =	vand.u32 $0x1FFE, v1  }
0x1e: {  	v0 =	vand.u32 $0x1, v0;
	v1 =	vor.u32 v2, v1  }
0x1f: {  	v0 =	vor.u32 v0, v1  }
0x20: {  	[tilespmem:s0+$0x0] =	vst v0;
	s0 =	sshra.s32 s1, $0x2;
	s1 =	sadd.s32 $0x40, s1  }
0x21: {  	v0 =	vld [tilespmem:s0+$0x0];
	_ =	sdelay $0x4  }
0x22: {  	v1 =	vshll.u32 v0, $0x1  }
0x23: {  	v2 =	vand.u32 $0xFFFFE000, v0;
	v0 =	vshrl.u32 v0, $0xC;
	v1 =	vand.u32 $0x1FFE, v1  }
0x24: {  	v0 =	vand.u32 $0x1, v0;
	v1 =	vor.u32 v2, v1  }
0x25: {  	v0 =	vor.u32 v0, v1  }
0x26: {  	s31 =	simm.s32 $0x0;
	s9 =	simm.s32 $0x6400;
	[tilespmem:s0+$0x0] =	vst v0  }
0x27: {  	[tilespmem:s9], [sflag:$0x1] =	stream.indirect.gather [hbm4b:s3+s8], $0x40, s31, s8, $0xb8;
	[tilespmem:$0x14C00] =	vst v63  }
0x28: {  	s11 =	simm.s32 $0x8400  }
0x29: {  	[tilespmem:s11], [sflag:$0x1] =	stream.indirect.gather [hbm4b:s3+s10], $0x40, s8, s10, $0xb8;
	[tilespmem:$0x14C00] =	vst v63  }
0x2a: {  	s12 =	simm.s32 $0xC8  }
0x2b: {  	[tilespmem:s13], [sflag:$0x2] =	stream.indirect.gather [hbm4b:s3+s8], $0x40, s12, s8, $0xb8;
	[tilespmem:$0x14C00] =	vst v63  }
0x2c: {  	_ = 	snop  }
0x2d: {  	[tilespmem:s15], [sflag:$0x2] =	stream.indirect.gather [hbm4b:s3+s10], $0x40, s14, s10, $0xb8;
	[tilespmem:$0x14C00] =	vst v63  }
0x2e: {  	_ = 	snop  }
0x2f: {  	[tilespmem:s17], [sflag:$0x3] =	stream.indirect.gather [hbm4b:s3+s8], $0x40, s16, s8, $0xb8;
	[tilespmem:$0x14C00] =	vst v63  }
0x30: {  	_ = 	snop  }
0x31: {  	[tilespmem:s19], [sflag:$0x3] =	stream.indirect.gather [hbm4b:s3+s10], $0x40, s18, s10, $0xb8;
	[tilespmem:$0x14C00] =	vst v63  }
0x32: {  	_ = 	snop  }
0x33: {  	[tilespmem:s21], [sflag:$0x4] =	stream.indirect.gather [hbm4b:s3+s8], $0x40, s20, s8, $0xb8;
	[tilespmem:$0x14C00] =	vst v63  }
0x34: {  	_ = 	snop  }
0x35: {  	[tilespmem:s23], [sflag:$0x4] =	stream.indirect.gather [hbm4b:s3+s10], $0x40, s22, s10, $0xb8;
	[tilespmem:$0x14C00] =	vst v63  }
.LBB2_4:
0x36: {  	_ =	swait.ge [sflag:s24], $0x2000  }
0x37: {  	[sflag:s24] =	ssyncset.done $0x0  }
0x38: {  	[sflag:s24] =	ssyncadd.s32 $0xFFFFE000  }
0x39: {  	_ =	swait.ge [sflag:s24], $0x1200  }
0x3a: {  	[sflag:s24] =	ssyncset.done $0x0  }
0x3b: {  	s0 =	simm.s32 $0x0;
	[sflag:s24] =	ssyncadd.s32 $0xFFFFEE00  }
0x3c: {  	v0 =	vld [tilespmem:s0+$0x65C0]  }
0x3d: {  	v1 =	vld [tilespmem:s0+$0x65D0]  }
0x3e: {  	v2 =	vld [tilespmem:s0+$0x6580]  }
0x3f: {  	v3 =	vld [tilespmem:s0+$0x6590]  }
0x40: {  	v4 =	vld [tilespmem:s0+$0x6540]  }
0x41: {  	v5 =	vld [tilespmem:s0+$0x6550]  }
0x42: {  	v6 =	vld [tilespmem:s0+$0x6500]  }
0x43: {  	v7 =	vld [tilespmem:s0+$0x6510]  }
0x44: {  	v9 =	vld [tilespmem:s0+$0x64C0]  }
0x45: {  	v8 =	vld [tilespmem:s0+$0x64D0]  }
0x46: {  	v11 =	vld [tilespmem:s0+$0x6480]  }
0x47: {  	v10 =	vld [tilespmem:s0+$0x6490]  }
0x48: {  	v17 =	vld [tilespmem:s0+$0x6440]  }
0x49: {  	v16 =	vld [tilespmem:s0+$0x6450]  }
0x4a: {  	v19 =	vld [tilespmem:s0+$0x6400]  }
0x4b: {  	v12 =	vimm.f32 $0.0e+00;
	v20 =	vld [tilespmem:s0+$0x6410]  }
0x4c: {  	s1 =	simm.s32 $0x800;
	v15 =	vimm.f32 $0.0e+00;
	v14 =	vimm.f32 $0.0e+00;
	v13 =	vimm.f32 $0.0e+00;
	v18 =	vld [tilespmem:s0+$0x6420]  }
.LBB2_5:
0x4d: {  	p0 =	sne.s32 s1, $0xC000;
	v21 =	vld [tilespmem:s0+$0x6430]  }
0x4e: {  	v22 =	vld [tilespmem:s0+$0x6460]  }
0x4f: {  	v23 =	vld [tilespmem:s0+$0x6470]  }
0x50: {  	v24 =	vld [tilespmem:s0+$0x64A0]  }
0x51: {  	v12 =	vadd.f32 v19, v12;
	v15 =	vadd.f32 v20, v15;
	v19 =	vld [tilespmem:s0+$0x64B0]  }
0x52: {  	v14 =	vadd.f32 v18, v14;
	v13 =	vadd.f32 v21, v13;
	v18 =	vld [tilespmem:s0+$0x64E0]  }
0x53: {  	v12 =	vadd.f32 v17, v12;
	v15 =	vadd.f32 v16, v15;
	v16 =	vld [tilespmem:s0+$0x64F0]  }
0x54: {  	v14 =	vadd.f32 v22, v14;
	v13 =	vadd.f32 v23, v13;
	v17 =	vld [tilespmem:s0+$0x6520]  }
0x55: {  	v11 =	vadd.f32 v11, v12;
	v10 =	vadd.f32 v10, v15;
	v12 =	vld [tilespmem:s0+$0x6530]  }
0x56: {  	v14 =	vadd.f32 v24, v14;
	v13 =	vadd.f32 v19, v13;
	v15 =	vld [tilespmem:s0+$0x6560]  }
0x57: {  	v9 =	vadd.f32 v9, v11;
	v8 =	vadd.f32 v8, v10;
	v10 =	vld [tilespmem:s0+$0x6570]  }
0x58: {  	v11 =	vadd.f32 v18, v14;
	v13 =	vadd.f32 v16, v13;
	v14 =	vld [tilespmem:s0+$0x65A0]  }
0x59: {  	v6 =	vadd.f32 v6, v9;
	v7 =	vadd.f32 v7, v8;
	v8 =	vld [tilespmem:s0+$0x65B0]  }
0x5a: {  	v9 =	vadd.f32 v17, v11;
	v11 =	vadd.f32 v12, v13;
	v13 =	vld [tilespmem:s0+$0x65E0]  }
0x5b: {  	v4 =	vadd.f32 v4, v6;
	v5 =	vadd.f32 v5, v7;
	v6 =	vld [tilespmem:s0+$0x65F0];
	s0 =	sshra.s32 s1, $0x2  }
0x5c: {  	v9 =	vadd.f32 v15, v9;
	v7 =	vld [tilespmem:s0+$0x65C0];
	v10 =	vadd.f32 v10, v11  }
0x5d: {  	v4 =	vadd.f32 v2, v4;
	v5 =	vadd.f32 v3, v5;
	v11 =	vld [tilespmem:s0+$0x65D0]  }
0x5e: {  	v9 =	vadd.f32 v14, v9;
	v2 =	vld [tilespmem:s0+$0x6580];
	v8 =	vadd.f32 v8, v10  }
0x5f: {  	v12 =	vadd.f32 v0, v4;
	v15 =	vadd.f32 v1, v5;
	v3 =	vld [tilespmem:s0+$0x6590]  }
0x60: {  	v14 =	vadd.f32 v13, v9;
	v4 =	vld [tilespmem:s0+$0x6540];
	v13 =	vadd.f32 v6, v8  }
0x61: {  	v5 =	vld [tilespmem:s0+$0x6550];
	v0 =	vmov v7  }
0x62: {  	v6 =	vld [tilespmem:s0+$0x6500];
	v1 =	vmov v11  }
0x63: {  	v7 =	vld [tilespmem:s0+$0x6510]  }
0x64: {  	v9 =	vld [tilespmem:s0+$0x64C0]  }
0x65: {  	v8 =	vld [tilespmem:s0+$0x64D0]  }
0x66: {  	v11 =	vld [tilespmem:s0+$0x6480]  }
0x67: {  	v10 =	vld [tilespmem:s0+$0x6490]  }
.Ltmp3:
0x68: {  	v17 =	vld [tilespmem:s0+$0x6440];
	(pc) =	sbr.rel @p0 .LBB2_5-.Ltmp3, $4  }
0x69: {  	v16 =	vld [tilespmem:s0+$0x6450]  }
0x6a: {  	v19 =	vld [tilespmem:s0+$0x6400]  }
0x6b: {  	v20 =	vld [tilespmem:s0+$0x6410]  }
0x6c: {  	s1 =	sadd.s32 $0x800, s1;
	v18 =	vld [tilespmem:s0+$0x6420]  }
0x6d: {  	v21 =	vld [tilespmem:s0+$0x6430]  }
0x6e: {  	v22 =	vld [tilespmem:s0+$0x6460]  }
0x6f: {  	v23 =	vld [tilespmem:s0+$0x6470];
	v12 =	vadd.f32 v19, v12  }
0x70: {  	v19 =	vld [tilespmem:s0+$0x64A0];
	v15 =	vadd.f32 v20, v15  }
0x71: {  	v20 =	vld [tilespmem:s0+$0x64B0];
	v14 =	vadd.f32 v18, v14;
	v12 =	vadd.f32 v17, v12  }
0x72: {  	v17 =	vld [tilespmem:s0+$0x64E0];
	v13 =	vadd.f32 v21, v13;
	v15 =	vadd.f32 v16, v15  }
0x73: {  	v16 =	vld [tilespmem:s0+$0x64F0];
	v14 =	vadd.f32 v22, v14;
	v11 =	vadd.f32 v11, v12  }
0x74: {  	v12 =	vadd.f32 v23, v13;
	v13 =	vld [tilespmem:s0+$0x6520];
	v10 =	vadd.f32 v10, v15  }
0x75: {  	v15 =	vld [tilespmem:s0+$0x6530];
	v14 =	vadd.f32 v19, v14;
	v9 =	vadd.f32 v9, v11  }
0x76: {  	v11 =	vadd.f32 v20, v12;
	v12 =	vld [tilespmem:s0+$0x6560];
	v8 =	vadd.f32 v8, v10  }
0x77: {  	v10 =	vld [tilespmem:s0+$0x6570];
	v14 =	vadd.f32 v17, v14;
	v6 =	vadd.f32 v6, v9  }
0x78: {  	v9 =	vadd.f32 v16, v11;
	v11 =	vld [tilespmem:s0+$0x65A0];
	v7 =	vadd.f32 v7, v8  }
0x79: {  	v8 =	vld [tilespmem:s0+$0x65B0];
	v13 =	vadd.f32 v13, v14;
	v4 =	vadd.f32 v4, v6  }
0x7a: {  	v6 =	vadd.f32 v15, v9;
	v9 =	vld [tilespmem:s0+$0x65E0];
	v5 =	vadd.f32 v5, v7  }
0x7b: {  	v7 =	vld [tilespmem:s0+$0x65F0];
	v12 =	vadd.f32 v12, v13;
	v2 =	vadd.f32 v2, v4  }
0x7c: {  	v4 =	vadd.f32 v10, v6;
	v3 =	vadd.f32 v3, v5  }
0x7d: {  	s12 =	sshll.u32 s31, $0x8;
	v5 =	vadd.f32 v11, v12;
	v0 =	vadd.f32 v0, v2  }
0x7e: {  	p0 =	seq.s32 s31, $0x1F;
	s0 =	sand.u32 $0x3FFFFF00, s12;
	v2 =	vadd.f32 v8, v4;
	v1 =	vadd.f32 v1, v3  }
0x7f: {  	s1 =	smul.u32 @!p0 $0xC80, s31;
	v3 =	vadd.f32 v9, v5;
	[tilespmem:s0+$0x12C00] =	vst v0  }
0x80: {  	v0 =	vadd.f32 v7, v2;
	[tilespmem:s0+$0x12C10] =	vst v1  }
0x81: {  	s1 =	sshra.s32 @!p0 s1, $0x2;
	[tilespmem:s0+$0x12C20] =	vst v3  }
0x82: {  	s11 =	simm.s32 @!p0 $0x80;
	s9 =	sadd.s32 @!p0 $0x320, s1;
	s12 =	simm.s32 @!p0 $0x6400;
	[tilespmem:s0+$0x12C30] =	vst v0  }
0x83: {  	[tilespmem:s12], [sflag:$0x1] =	stream.indirect.gather @!p0 [hbm4b:s3+s11], $0x40, s9, s11, $0xb8;
	[tilespmem:$0x14C00] =	vst v63  }
0x84: {  	s9 =	sadd.s32 @!p0 $0x3A0, s1;
	s11 =	simm.s32 @!p0 $0x48;
	s12 =	simm.s32 @!p0 $0x8400  }
0x85: {  	[tilespmem:s12], [sflag:$0x1] =	stream.indirect.gather @!p0 [hbm4b:s3+s11], $0x40, s9, s11, $0xb8;
	[tilespmem:$0x14C00] =	vst v63  }
0x86: {  	_ =	swait.ge [sflag:s25], $0x2000  }
0x87: {  	[sflag:s25] =	ssyncset.done $0x0  }
0x88: {  	[sflag:s25] =	ssyncadd.s32 $0xFFFFE000  }
0x89: {  	_ =	swait.ge [sflag:s25], $0x1200  }
0x8a: {  	[sflag:s25] =	ssyncset.done $0x0  }
0x8b: {  	s9 =	simm.s32 $0x0;
	[sflag:s25] =	ssyncadd.s32 $0xFFFFEE00  }
0x8c: {  	v0 =	vld [tilespmem:s9+$0x97C0]  }
0x8d: {  	v1 =	vld [tilespmem:s9+$0x97D0]  }
0x8e: {  	v2 =	vld [tilespmem:s9+$0x9780]  }
0x8f: {  	v3 =	vld [tilespmem:s9+$0x9790]  }
0x90: {  	v4 =	vld [tilespmem:s9+$0x9740]  }
0x91: {  	v5 =	vld [tilespmem:s9+$0x9750]  }
0x92: {  	v6 =	vld [tilespmem:s9+$0x9700]  }
0x93: {  	v7 =	vld [tilespmem:s9+$0x9710]  }
0x94: {  	v9 =	vld [tilespmem:s9+$0x96C0]  }
0x95: {  	v8 =	vld [tilespmem:s9+$0x96D0]  }
0x96: {  	v11 =	vld [tilespmem:s9+$0x9680]  }
0x97: {  	v10 =	vld [tilespmem:s9+$0x9690]  }
0x98: {  	v17 =	vld [tilespmem:s9+$0x9640]  }
0x99: {  	v16 =	vld [tilespmem:s9+$0x9650]  }
0x9a: {  	v19 =	vld [tilespmem:s9+$0x9600]  }
0x9b: {  	v14 =	vimm.f32 $0.0e+00;
	v20 =	vld [tilespmem:s9+$0x9610]  }
0x9c: {  	v15 =	vimm.f32 $0.0e+00;
	v13 =	vimm.f32 $0.0e+00;
	v12 =	vimm.f32 $0.0e+00;
	s11 =	simm.s32 $0x800;
	v18 =	vld [tilespmem:s9+$0x9620]  }
.LBB2_7:
0x9d: {  	p1 =	sne.s32 s11, $0xC000;
	v21 =	vld [tilespmem:s9+$0x9630]  }
0x9e: {  	v22 =	vld [tilespmem:s9+$0x9660]  }
0x9f: {  	v23 =	vld [tilespmem:s9+$0x9670]  }
0xa0: {  	v24 =	vld [tilespmem:s9+$0x96A0]  }
0xa1: {  	v12 =	vadd.f32 v19, v12;
	v15 =	vadd.f32 v20, v15;
	v19 =	vld [tilespmem:s9+$0x96B0]  }
0xa2: {  	v14 =	vadd.f32 v18, v14;
	v13 =	vadd.f32 v21, v13;
	v18 =	vld [tilespmem:s9+$0x96E0]  }
0xa3: {  	v12 =	vadd.f32 v17, v12;
	v15 =	vadd.f32 v16, v15;
	v16 =	vld [tilespmem:s9+$0x96F0]  }
0xa4: {  	v14 =	vadd.f32 v22, v14;
	v13 =	vadd.f32 v23, v13;
	v17 =	vld [tilespmem:s9+$0x9720]  }
0xa5: {  	v11 =	vadd.f32 v11, v12;
	v10 =	vadd.f32 v10, v15;
	v12 =	vld [tilespmem:s9+$0x9730]  }
0xa6: {  	v14 =	vadd.f32 v24, v14;
	v13 =	vadd.f32 v19, v13;
	v15 =	vld [tilespmem:s9+$0x9760]  }
0xa7: {  	v9 =	vadd.f32 v9, v11;
	v8 =	vadd.f32 v8, v10;
	v10 =	vld [tilespmem:s9+$0x9770]  }
0xa8: {  	v11 =	vadd.f32 v18, v14;
	v13 =	vadd.f32 v16, v13;
	v14 =	vld [tilespmem:s9+$0x97A0]  }
0xa9: {  	v6 =	vadd.f32 v6, v9;
	v7 =	vadd.f32 v7, v8;
	v8 =	vld [tilespmem:s9+$0x97B0]  }
0xaa: {  	v9 =	vadd.f32 v17, v11;
	v11 =	vadd.f32 v12, v13;
	v13 =	vld [tilespmem:s9+$0x97E0]  }
0xab: {  	v4 =	vadd.f32 v4, v6;
	v5 =	vadd.f32 v5, v7;
	v6 =	vld [tilespmem:s9+$0x97F0];
	s9 =	sshra.s32 s11, $0x2  }
0xac: {  	v9 =	vadd.f32 v15, v9;
	v7 =	vld [tilespmem:s9+$0x97C0];
	v10 =	vadd.f32 v10, v11  }
0xad: {  	v4 =	vadd.f32 v2, v4;
	v5 =	vadd.f32 v3, v5;
	v11 =	vld [tilespmem:s9+$0x97D0]  }
0xae: {  	v9 =	vadd.f32 v14, v9;
	v2 =	vld [tilespmem:s9+$0x9780];
	v8 =	vadd.f32 v8, v10  }
0xaf: {  	v12 =	vadd.f32 v0, v4;
	v15 =	vadd.f32 v1, v5;
	v3 =	vld [tilespmem:s9+$0x9790]  }
0xb0: {  	v14 =	vadd.f32 v13, v9;
	v4 =	vld [tilespmem:s9+$0x9740];
	v13 =	vadd.f32 v6, v8  }
0xb1: {  	v5 =	vld [tilespmem:s9+$0x9750];
	v0 =	vmov v7  }
0xb2: {  	v6 =	vld [tilespmem:s9+$0x9700];
	v1 =	vmov v11  }
0xb3: {  	v7 =	vld [tilespmem:s9+$0x9710]  }
0xb4: {  	v9 =	vld [tilespmem:s9+$0x96C0]  }
0xb5: {  	v8 =	vld [tilespmem:s9+$0x96D0]  }
0xb6: {  	v11 =	vld [tilespmem:s9+$0x9680]  }
0xb7: {  	v10 =	vld [tilespmem:s9+$0x9690]  }
.Ltmp4:
0xb8: {  	v17 =	vld [tilespmem:s9+$0x9640];
	(pc) =	sbr.rel @p1 .LBB2_7-.Ltmp4, $4  }
0xb9: {  	v16 =	vld [tilespmem:s9+$0x9650]  }
0xba: {  	v19 =	vld [tilespmem:s9+$0x9600]  }
0xbb: {  	v20 =	vld [tilespmem:s9+$0x9610]  }
0xbc: {  	s11 =	sadd.s32 $0x800, s11;
	v18 =	vld [tilespmem:s9+$0x9620]  }
0xbd: {  	v21 =	vld [tilespmem:s9+$0x9630]  }
0xbe: {  	v22 =	vld [tilespmem:s9+$0x9660]  }
0xbf: {  	v23 =	vld [tilespmem:s9+$0x9670];
	v12 =	vadd.f32 v19, v12  }
0xc0: {  	v19 =	vld [tilespmem:s9+$0x96A0];
	v15 =	vadd.f32 v20, v15  }
0xc1: {  	v20 =	vld [tilespmem:s9+$0x96B0];
	v14 =	vadd.f32 v18, v14;
	v12 =	vadd.f32 v17, v12  }
0xc2: {  	v17 =	vld [tilespmem:s9+$0x96E0];
	v13 =	vadd.f32 v21, v13;
	v15 =	vadd.f32 v16, v15  }
0xc3: {  	v16 =	vld [tilespmem:s9+$0x96F0];
	v14 =	vadd.f32 v22, v14;
	v11 =	vadd.f32 v11, v12  }
0xc4: {  	v12 =	vadd.f32 v23, v13;
	v13 =	vld [tilespmem:s9+$0x9720];
	v10 =	vadd.f32 v10, v15  }
0xc5: {  	v15 =	vld [tilespmem:s9+$0x9730];
	v14 =	vadd.f32 v19, v14;
	v9 =	vadd.f32 v9, v11  }
0xc6: {  	v11 =	vadd.f32 v20, v12;
	v12 =	vld [tilespmem:s9+$0x9760];
	v8 =	vadd.f32 v8, v10  }
0xc7: {  	v10 =	vld [tilespmem:s9+$0x9770];
	v14 =	vadd.f32 v17, v14;
	v6 =	vadd.f32 v6, v9  }
0xc8: {  	v9 =	vadd.f32 v16, v11;
	v11 =	vld [tilespmem:s9+$0x97A0];
	v7 =	vadd.f32 v7, v8  }
0xc9: {  	v8 =	vld [tilespmem:s9+$0x97B0];
	v13 =	vadd.f32 v13, v14;
	v4 =	vadd.f32 v4, v6  }
0xca: {  	v6 =	vadd.f32 v15, v9;
	v9 =	vld [tilespmem:s9+$0x97E0];
	v5 =	vadd.f32 v5, v7  }
0xcb: {  	v7 =	vld [tilespmem:s9+$0x97F0];
	v12 =	vadd.f32 v12, v13;
	v2 =	vadd.f32 v2, v4  }
0xcc: {  	v4 =	vadd.f32 v10, v6;
	v3 =	vadd.f32 v3, v5  }
0xcd: {  	v5 =	vadd.f32 v11, v12;
	v0 =	vadd.f32 v0, v2  }
0xce: {  	v2 =	vadd.f32 v8, v4;
	v1 =	vadd.f32 v1, v3  }
0xcf: {  	v3 =	vadd.f32 v9, v5;
	[tilespmem:s0+$0x12C40] =	vst v0  }
0xd0: {  	v0 =	vadd.f32 v7, v2;
	[tilespmem:s0+$0x12C50] =	vst v1  }
0xd1: {  	[tilespmem:s0+$0x12C60] =	vst v3  }
0xd2: {  	s11 =	simm.s32 @!p0 $0x80;
	s12 =	simm.s32 @!p0 $0x9600;
	s9 =	sadd.s32 @!p0 $0x3E8, s1;
	[tilespmem:s0+$0x12C70] =	vst v0  }
0xd3: {  	[tilespmem:s12], [sflag:$0x2] =	stream.indirect.gather @!p0 [hbm4b:s3+s11], $0x40, s9, s11, $0xb8;
	[tilespmem:$0x14C00] =	vst v63  }
0xd4: {  	s9 =	sadd.s32 @!p0 $0x468, s1;
	s11 =	simm.s32 @!p0 $0x48;
	s12 =	simm.s32 @!p0 $0xB600  }
0xd5: {  	[tilespmem:s12], [sflag:$0x2] =	stream.indirect.gather @!p0 [hbm4b:s3+s11], $0x40, s9, s11, $0xb8;
	[tilespmem:$0x14C00] =	vst v63  }
0xd6: {  	_ =	swait.ge [sflag:s26], $0x2000  }
0xd7: {  	[sflag:s26] =	ssyncset.done $0x0  }
0xd8: {  	[sflag:s26] =	ssyncadd.s32 $0xFFFFE000  }
0xd9: {  	_ =	swait.ge [sflag:s26], $0x1200  }
0xda: {  	[sflag:s26] =	ssyncset.done $0x0  }
0xdb: {  	s9 =	simm.s32 $0x0;
	[sflag:s26] =	ssyncadd.s32 $0xFFFFEE00  }
0xdc: {  	v0 =	vld [tilespmem:s9+$0xC9C0]  }
0xdd: {  	v1 =	vld [tilespmem:s9+$0xC9D0]  }
0xde: {  	v2 =	vld [tilespmem:s9+$0xC980]  }
0xdf: {  	v3 =	vld [tilespmem:s9+$0xC990]  }
0xe0: {  	v4 =	vld [tilespmem:s9+$0xC940]  }
0xe1: {  	v5 =	vld [tilespmem:s9+$0xC950]  }
0xe2: {  	v6 =	vld [tilespmem:s9+$0xC900]  }
0xe3: {  	v7 =	vld [tilespmem:s9+$0xC910]  }
0xe4: {  	v9 =	vld [tilespmem:s9+$0xC8C0]  }
0xe5: {  	v8 =	vld [tilespmem:s9+$0xC8D0]  }
0xe6: {  	v11 =	vld [tilespmem:s9+$0xC880]  }
0xe7: {  	v10 =	vld [tilespmem:s9+$0xC890]  }
0xe8: {  	v17 =	vld [tilespmem:s9+$0xC840]  }
0xe9: {  	v16 =	vld [tilespmem:s9+$0xC850]  }
0xea: {  	v19 =	vld [tilespmem:s9+$0xC800]  }
0xeb: {  	v14 =	vimm.f32 $0.0e+00;
	v20 =	vld [tilespmem:s9+$0xC810]  }
0xec: {  	v15 =	vimm.f32 $0.0e+00;
	v13 =	vimm.f32 $0.0e+00;
	v12 =	vimm.f32 $0.0e+00;
	s11 =	simm.s32 $0x800;
	v18 =	vld [tilespmem:s9+$0xC820]  }
.LBB2_9:
0xed: {  	p1 =	sne.s32 s11, $0xC000;
	v21 =	vld [tilespmem:s9+$0xC830]  }
0xee: {  	v22 =	vld [tilespmem:s9+$0xC860]  }
0xef: {  	v23 =	vld [tilespmem:s9+$0xC870]  }
0xf0: {  	v24 =	vld [tilespmem:s9+$0xC8A0]  }
0xf1: {  	v12 =	vadd.f32 v19, v12;
	v15 =	vadd.f32 v20, v15;
	v19 =	vld [tilespmem:s9+$0xC8B0]  }
0xf2: {  	v14 =	vadd.f32 v18, v14;
	v13 =	vadd.f32 v21, v13;
	v18 =	vld [tilespmem:s9+$0xC8E0]  }
0xf3: {  	v12 =	vadd.f32 v17, v12;
	v15 =	vadd.f32 v16, v15;
	v16 =	vld [tilespmem:s9+$0xC8F0]  }
0xf4: {  	v14 =	vadd.f32 v22, v14;
	v13 =	vadd.f32 v23, v13;
	v17 =	vld [tilespmem:s9+$0xC920]  }
0xf5: {  	v11 =	vadd.f32 v11, v12;
	v10 =	vadd.f32 v10, v15;
	v12 =	vld [tilespmem:s9+$0xC930]  }
0xf6: {  	v14 =	vadd.f32 v24, v14;
	v13 =	vadd.f32 v19, v13;
	v15 =	vld [tilespmem:s9+$0xC960]  }
0xf7: {  	v9 =	vadd.f32 v9, v11;
	v8 =	vadd.f32 v8, v10;
	v10 =	vld [tilespmem:s9+$0xC970]  }
0xf8: {  	v11 =	vadd.f32 v18, v14;
	v13 =	vadd.f32 v16, v13;
	v14 =	vld [tilespmem:s9+$0xC9A0]  }
0xf9: {  	v6 =	vadd.f32 v6, v9;
	v7 =	vadd.f32 v7, v8;
	v8 =	vld [tilespmem:s9+$0xC9B0]  }
0xfa: {  	v9 =	vadd.f32 v17, v11;
	v11 =	vadd.f32 v12, v13;
	v13 =	vld [tilespmem:s9+$0xC9E0]  }
0xfb: {  	v4 =	vadd.f32 v4, v6;
	v5 =	vadd.f32 v5, v7;
	v6 =	vld [tilespmem:s9+$0xC9F0];
	s9 =	sshra.s32 s11, $0x2  }
0xfc: {  	v9 =	vadd.f32 v15, v9;
	v7 =	vld [tilespmem:s9+$0xC9C0];
	v10 =	vadd.f32 v10, v11  }
0xfd: {  	v4 =	vadd.f32 v2, v4;
	v5 =	vadd.f32 v3, v5;
	v11 =	vld [tilespmem:s9+$0xC9D0]  }
0xfe: {  	v9 =	vadd.f32 v14, v9;
	v2 =	vld [tilespmem:s9+$0xC980];
	v8 =	vadd.f32 v8, v10  }
0xff: {  	v12 =	vadd.f32 v0, v4;
	v15 =	vadd.f32 v1, v5;
	v3 =	vld [tilespmem:s9+$0xC990]  }
0x100: {  	v14 =	vadd.f32 v13, v9;
	v4 =	vld [tilespmem:s9+$0xC940];
	v13 =	vadd.f32 v6, v8  }
0x101: {  	v5 =	vld [tilespmem:s9+$0xC950];
	v0 =	vmov v7  }
0x102: {  	v6 =	vld [tilespmem:s9+$0xC900];
	v1 =	vmov v11  }
0x103: {  	v7 =	vld [tilespmem:s9+$0xC910]  }
0x104: {  	v9 =	vld [tilespmem:s9+$0xC8C0]  }
0x105: {  	v8 =	vld [tilespmem:s9+$0xC8D0]  }
0x106: {  	v11 =	vld [tilespmem:s9+$0xC880]  }
0x107: {  	v10 =	vld [tilespmem:s9+$0xC890]  }
.Ltmp5:
0x108: {  	v17 =	vld [tilespmem:s9+$0xC840];
	(pc) =	sbr.rel @p1 .LBB2_9-.Ltmp5, $4  }
0x109: {  	v16 =	vld [tilespmem:s9+$0xC850]  }
0x10a: {  	v19 =	vld [tilespmem:s9+$0xC800]  }
0x10b: {  	v20 =	vld [tilespmem:s9+$0xC810]  }
0x10c: {  	s11 =	sadd.s32 $0x800, s11;
	v18 =	vld [tilespmem:s9+$0xC820]  }
0x10d: {  	v21 =	vld [tilespmem:s9+$0xC830]  }
0x10e: {  	v22 =	vld [tilespmem:s9+$0xC860]  }
0x10f: {  	v23 =	vld [tilespmem:s9+$0xC870];
	v12 =	vadd.f32 v19, v12  }
0x110: {  	v19 =	vld [tilespmem:s9+$0xC8A0];
	v15 =	vadd.f32 v20, v15  }
0x111: {  	v20 =	vld [tilespmem:s9+$0xC8B0];
	v14 =	vadd.f32 v18, v14;
	v12 =	vadd.f32 v17, v12  }
0x112: {  	v17 =	vld [tilespmem:s9+$0xC8E0];
	v13 =	vadd.f32 v21, v13;
	v15 =	vadd.f32 v16, v15  }
0x113: {  	v16 =	vld [tilespmem:s9+$0xC8F0];
	v14 =	vadd.f32 v22, v14;
	v11 =	vadd.f32 v11, v12  }
0x114: {  	v12 =	vadd.f32 v23, v13;
	v13 =	vld [tilespmem:s9+$0xC920];
	v10 =	vadd.f32 v10, v15  }
0x115: {  	v15 =	vld [tilespmem:s9+$0xC930];
	v14 =	vadd.f32 v19, v14;
	v9 =	vadd.f32 v9, v11  }
0x116: {  	v11 =	vadd.f32 v20, v12;
	v12 =	vld [tilespmem:s9+$0xC960];
	v8 =	vadd.f32 v8, v10  }
0x117: {  	v10 =	vld [tilespmem:s9+$0xC970];
	v14 =	vadd.f32 v17, v14;
	v6 =	vadd.f32 v6, v9  }
0x118: {  	v9 =	vadd.f32 v16, v11;
	v11 =	vld [tilespmem:s9+$0xC9A0];
	v7 =	vadd.f32 v7, v8  }
0x119: {  	v8 =	vld [tilespmem:s9+$0xC9B0];
	v13 =	vadd.f32 v13, v14;
	v4 =	vadd.f32 v4, v6  }
0x11a: {  	v6 =	vadd.f32 v15, v9;
	v9 =	vld [tilespmem:s9+$0xC9E0];
	v5 =	vadd.f32 v5, v7  }
0x11b: {  	v7 =	vld [tilespmem:s9+$0xC9F0];
	v12 =	vadd.f32 v12, v13;
	v2 =	vadd.f32 v2, v4  }
0x11c: {  	v4 =	vadd.f32 v10, v6;
	v3 =	vadd.f32 v3, v5  }
0x11d: {  	v5 =	vadd.f32 v11, v12;
	v0 =	vadd.f32 v0, v2  }
0x11e: {  	v2 =	vadd.f32 v8, v4;
	v1 =	vadd.f32 v1, v3  }
0x11f: {  	v3 =	vadd.f32 v9, v5;
	[tilespmem:s0+$0x12C80] =	vst v0  }
0x120: {  	v0 =	vadd.f32 v7, v2;
	[tilespmem:s0+$0x12C90] =	vst v1  }
0x121: {  	[tilespmem:s0+$0x12CA0] =	vst v3  }
0x122: {  	s11 =	simm.s32 @!p0 $0x80;
	s12 =	simm.s32 @!p0 $0xC800;
	s9 =	sadd.s32 @!p0 $0x4B0, s1;
	[tilespmem:s0+$0x12CB0] =	vst v0  }
0x123: {  	[tilespmem:s12], [sflag:$0x3] =	stream.indirect.gather @!p0 [hbm4b:s3+s11], $0x40, s9, s11, $0xb8;
	[tilespmem:$0x14C00] =	vst v63  }
0x124: {  	s1 =	sadd.s32 @!p0 $0x530, s1;
	s9 =	simm.s32 @!p0 $0x48;
	s11 =	simm.s32 @!p0 $0xE800  }
0x125: {  	[tilespmem:s11], [sflag:$0x3] =	stream.indirect.gather @!p0 [hbm4b:s3+s9], $0x40, s1, s9, $0xb8;
	[tilespmem:$0x14C00] =	vst v63  }
0x126: {  	_ =	swait.ge [sflag:s28], $0x2000  }
0x127: {  	[sflag:s28] =	ssyncset.done $0x0  }
0x128: {  	[sflag:s28] =	ssyncadd.s32 $0xFFFFE000  }
0x129: {  	_ =	swait.ge [sflag:s28], $0x1200  }
0x12a: {  	[sflag:s28] =	ssyncset.done $0x0  }
0x12b: {  	s1 =	simm.s32 $0x0;
	[sflag:s28] =	ssyncadd.s32 $0xFFFFEE00  }
0x12c: {  	v0 =	vld [tilespmem:s1+$0xFBC0]  }
0x12d: {  	v1 =	vld [tilespmem:s1+$0xFBD0]  }
0x12e: {  	v2 =	vld [tilespmem:s1+$0xFB80]  }
0x12f: {  	v3 =	vld [tilespmem:s1+$0xFB90]  }
0x130: {  	v4 =	vld [tilespmem:s1+$0xFB40]  }
0x131: {  	v5 =	vld [tilespmem:s1+$0xFB50]  }
0x132: {  	v6 =	vld [tilespmem:s1+$0xFB00]  }
0x133: {  	v7 =	vld [tilespmem:s1+$0xFB10]  }
0x134: {  	v9 =	vld [tilespmem:s1+$0xFAC0]  }
0x135: {  	v8 =	vld [tilespmem:s1+$0xFAD0]  }
0x136: {  	v11 =	vld [tilespmem:s1+$0xFA80]  }
0x137: {  	v10 =	vld [tilespmem:s1+$0xFA90]  }
0x138: {  	v17 =	vld [tilespmem:s1+$0xFA40]  }
0x139: {  	v16 =	vld [tilespmem:s1+$0xFA50]  }
0x13a: {  	v19 =	vld [tilespmem:s1+$0xFA00]  }
0x13b: {  	v14 =	vimm.f32 $0.0e+00;
	v20 =	vld [tilespmem:s1+$0xFA10]  }
0x13c: {  	v15 =	vimm.f32 $0.0e+00;
	v13 =	vimm.f32 $0.0e+00;
	v12 =	vimm.f32 $0.0e+00;
	s9 =	simm.s32 $0x800;
	v18 =	vld [tilespmem:s1+$0xFA20]  }
.LBB2_11:
0x13d: {  	p1 =	sne.s32 s9, $0xC000;
	v21 =	vld [tilespmem:s1+$0xFA30]  }
0x13e: {  	v22 =	vld [tilespmem:s1+$0xFA60]  }
0x13f: {  	v23 =	vld [tilespmem:s1+$0xFA70]  }
0x140: {  	v24 =	vld [tilespmem:s1+$0xFAA0]  }
0x141: {  	v12 =	vadd.f32 v19, v12;
	v15 =	vadd.f32 v20, v15;
	v19 =	vld [tilespmem:s1+$0xFAB0]  }
0x142: {  	v14 =	vadd.f32 v18, v14;
	v13 =	vadd.f32 v21, v13;
	v18 =	vld [tilespmem:s1+$0xFAE0]  }
0x143: {  	v12 =	vadd.f32 v17, v12;
	v15 =	vadd.f32 v16, v15;
	v16 =	vld [tilespmem:s1+$0xFAF0]  }
0x144: {  	v14 =	vadd.f32 v22, v14;
	v13 =	vadd.f32 v23, v13;
	v17 =	vld [tilespmem:s1+$0xFB20]  }
0x145: {  	v11 =	vadd.f32 v11, v12;
	v10 =	vadd.f32 v10, v15;
	v12 =	vld [tilespmem:s1+$0xFB30]  }
0x146: {  	v14 =	vadd.f32 v24, v14;
	v13 =	vadd.f32 v19, v13;
	v15 =	vld [tilespmem:s1+$0xFB60]  }
0x147: {  	v9 =	vadd.f32 v9, v11;
	v8 =	vadd.f32 v8, v10;
	v10 =	vld [tilespmem:s1+$0xFB70]  }
0x148: {  	v11 =	vadd.f32 v18, v14;
	v13 =	vadd.f32 v16, v13;
	v14 =	vld [tilespmem:s1+$0xFBA0]  }
0x149: {  	v6 =	vadd.f32 v6, v9;
	v7 =	vadd.f32 v7, v8;
	v8 =	vld [tilespmem:s1+$0xFBB0]  }
0x14a: {  	v9 =	vadd.f32 v17, v11;
	v11 =	vadd.f32 v12, v13;
	v13 =	vld [tilespmem:s1+$0xFBE0]  }
0x14b: {  	v4 =	vadd.f32 v4, v6;
	v5 =	vadd.f32 v5, v7;
	v6 =	vld [tilespmem:s1+$0xFBF0];
	s1 =	sshra.s32 s9, $0x2  }
0x14c: {  	v9 =	vadd.f32 v15, v9;
	v7 =	vld [tilespmem:s1+$0xFBC0];
	v10 =	vadd.f32 v10, v11  }
0x14d: {  	v4 =	vadd.f32 v2, v4;
	v5 =	vadd.f32 v3, v5;
	v11 =	vld [tilespmem:s1+$0xFBD0]  }
0x14e: {  	v9 =	vadd.f32 v14, v9;
	v2 =	vld [tilespmem:s1+$0xFB80];
	v8 =	vadd.f32 v8, v10  }
0x14f: {  	v12 =	vadd.f32 v0, v4;
	v15 =	vadd.f32 v1, v5;
	v3 =	vld [tilespmem:s1+$0xFB90]  }
0x150: {  	v14 =	vadd.f32 v13, v9;
	v4 =	vld [tilespmem:s1+$0xFB40];
	v13 =	vadd.f32 v6, v8  }
0x151: {  	v5 =	vld [tilespmem:s1+$0xFB50];
	v0 =	vmov v7  }
0x152: {  	v6 =	vld [tilespmem:s1+$0xFB00];
	v1 =	vmov v11  }
0x153: {  	v7 =	vld [tilespmem:s1+$0xFB10]  }
0x154: {  	v9 =	vld [tilespmem:s1+$0xFAC0]  }
0x155: {  	v8 =	vld [tilespmem:s1+$0xFAD0]  }
0x156: {  	v11 =	vld [tilespmem:s1+$0xFA80]  }
0x157: {  	v10 =	vld [tilespmem:s1+$0xFA90]  }
.Ltmp6:
0x158: {  	v17 =	vld [tilespmem:s1+$0xFA40];
	(pc) =	sbr.rel @p1 .LBB2_11-.Ltmp6, $4  }
0x159: {  	v16 =	vld [tilespmem:s1+$0xFA50]  }
0x15a: {  	v19 =	vld [tilespmem:s1+$0xFA00]  }
0x15b: {  	v20 =	vld [tilespmem:s1+$0xFA10]  }
0x15c: {  	s9 =	sadd.s32 $0x800, s9;
	v18 =	vld [tilespmem:s1+$0xFA20]  }
0x15d: {  	v21 =	vld [tilespmem:s1+$0xFA30]  }
0x15e: {  	v22 =	vld [tilespmem:s1+$0xFA60]  }
0x15f: {  	v23 =	vld [tilespmem:s1+$0xFA70];
	v12 =	vadd.f32 v19, v12  }
0x160: {  	v43 =	vld [tilespmem:s1+$0xFAA0];
	v15 =	vadd.f32 v20, v15  }
0x161: {  	v44 =	vld [tilespmem:s1+$0xFAB0];
	v14 =	vadd.f32 v18, v14;
	v12 =	vadd.f32 v17, v12  }
0x162: {  	v45 =	vld [tilespmem:s1+$0xFAE0];
	v13 =	vadd.f32 v21, v13;
	v15 =	vadd.f32 v16, v15  }
0x163: {  	v46 =	vld [tilespmem:s1+$0xFAF0];
	v14 =	vadd.f32 v22, v14;
	v11 =	vadd.f32 v11, v12  }
0x164: {  	v48 =	vld [tilespmem:s1+$0xFB20];
	v47 =	vadd.f32 v23, v13;
	v10 =	vadd.f32 v10, v15  }
0x165: {  	v49 =	vld [tilespmem:s1+$0xFB30];
	v14 =	vadd.f32 v43, v14;
	v9 =	vadd.f32 v9, v11  }
0x166: {  	v51 =	vld [tilespmem:s1+$0xFB60];
	v50 =	vadd.f32 v44, v47;
	v8 =	vadd.f32 v8, v10  }
0x167: {  	v52 =	vld [tilespmem:s1+$0xFB70];
	v14 =	vadd.f32 v45, v14;
	v6 =	vadd.f32 v6, v9  }
0x168: {  	v54 =	vld [tilespmem:s1+$0xFBA0];
	v53 =	vadd.f32 v46, v50;
	v7 =	vadd.f32 v7, v8  }
0x169: {  	v55 =	vld [tilespmem:s1+$0xFBB0];
	v13 =	vadd.f32 v48, v14;
	v4 =	vadd.f32 v4, v6  }
0x16a: {  	v57 =	vld [tilespmem:s1+$0xFBE0];
	v56 =	vadd.f32 v49, v53;
	v5 =	vadd.f32 v5, v7  }
0x16b: {  	v58 =	vld [tilespmem:s1+$0xFBF0];
	v12 =	vadd.f32 v51, v13;
	v2 =	vadd.f32 v2, v4  }
0x16c: {  	v59 =	vadd.f32 v52, v56;
	v3 =	vadd.f32 v3, v5  }
0x16d: {  	v60 =	vadd.f32 v54, v12;
	v0 =	vadd.f32 v0, v2  }
.Ltmp7:
0x16e: {  	v61 =	vadd.f32 v55, v59;
	v1 =	vadd.f32 v1, v3;
	(pc) =	sbr.rel @p0 .LBB2_14-.Ltmp7, $4  }
0x16f: {  	v62 =	vadd.f32 v57, v60;
	[tilespmem:s0+$0x12CC0] =	vst v0  }
0x170: {  	v63 =	vadd.f32 v58, v61;
	[tilespmem:s0+$0x12CD0] =	vst v1  }
0x171: {  	[tilespmem:s0+$0x12CE0] =	vst v62  }
0x172: {  	[tilespmem:s0+$0x12CF0] =	vst v63  }
0x173: {  	s0 =	smul.u32 $0xC80, s31;
	_ =	sdelay $0x1  }
.Ltmp8:
0x174: {  	s0 =	sshra.s32 s0, $0x2;
	(pc) =	sbr.rel .LBB2_4-.Ltmp8, $4  }
0x175: {  	s1 =	sadd.s32 $0x578, s0  }
0x176: {  	[tilespmem:s21], [sflag:$0x4] =	stream.indirect.gather [hbm4b:s3+s8], $0x40, s1, s8, $0xb8;
	[tilespmem:$0x14C00] =	vst v63  }
0x177: {  	s31 =	sadd.s32 $0x1, s31;
	s0 =	sadd.s32 $0x5F8, s0  }
0x178: {  	[tilespmem:s23], [sflag:$0x4] =	stream.indirect.gather [hbm4b:s3+s10], $0x40, s0, s10, $0xb8;
	[tilespmem:$0x14C00] =	vst v63  }
.LBB2_15:
0x179: {  	_ =	sfence.sel $0x180000  }
0x17a: {  	[bflag:$0x0] =	sbarrier.arrive $0xFFFF  }
0x17b: {  	_ =	strace $0x90000047  }
0x17c: {  	s0 =	stileid.u32;
	[bflag:$0x2] =	sbarrier.arrive $0xFFFF  }
0x17d: {  	p0 =	sne.s32 s0, $0x0;
	s0 =	rddreg [dreg:$0x2]  }
0x17e: {  	s0 =	sadd.s32 @!p0 $0x100000, s0  }
0x17f: {  	[sflag:s0] =	ssyncadd.tile.s32 @!p0 $0x1;
	_ =	shalt  }
.Lfunc_end2:
_tile_overlayer_lowered:
.L_overlay_start_2:
0x180: {  	(tag) =	ssettag $0x2  }
0x181: {  	s0 =	rddreg [dreg:$0x0];
	s2 =	stileid.u32  }
0x182: {  	s1 =	rddreg [dreg:$0x1];
	p0 =	sne.s32 s2, $0x0  }
0x183: {  	s3 =	rddreg [dreg:$0x2];
	[bflag:$0x3] =	sbarrier.arrive $0xFFFF;
	s2 =	simm.s32 @!p0 $0x1C05  }
0x184: {  	[timem:s3], [sflag:s2] =	dma.local @!p0 [hbm:s0], s1  }
0x185: {  	s0 =	simm.s32 @!p0 $0x5  }
0x186: {  	_ =	swait.ge @!p0 [sflag:s0], s1  }
0x187: {  	s1 =	ssub.s32 @!p0 $0x0, s1;
	[sflag:s0] =	ssyncset.done @!p0 $0x0  }
0x188: {  	[sflag:s0] =	ssyncadd.s32 @!p0 s1  }
0x189: {  	[bflag:$0x3] =	sbarrier.arrive $0xFFFF  }
0x18a: {  	_ =	shalt  }

</sc_bundles>
